<compile_context>
chip_gen: v7x
topology: tpu7x:2x2x1
jax: 0.10.2.dev20260603
libtpu: 0.0.44.dev20260713+nightly
codegen_flags: <defaults>
</compile_context>

<pallas_src>
import functools

import jax
import jax.numpy as jnp
from jax import lax
from jax.experimental import pallas as pl
from jax.experimental.pallas import tpu as pltpu
from jax.experimental.pallas import tpu_sc as plsc

D_MODEL = 128
MAX_LEN = 200
SEQ = 200
BATCH = 4096

_NC = 2
_NS = 16
_NW = _NC * _NS
_K = 16


def _sc_bcast(table_hbm, out_hbm, tab_v, sem):
    wid = lax.axis_index("s") * _NC + lax.axis_index("c")
    per = BATCH // _NW
    base = wid * per
    pltpu.sync_copy(table_hbm, tab_v)

    def chunk(i, carry):
        for j in range(_K):
            pltpu.async_copy(tab_v, out_hbm.at[base + i * _K + j], sem).start()
        for j in range(_K):
            pltpu.make_async_copy(tab_v, out_hbm.at[base + i * _K + j], sem).wait()
        return carry

    lax.fori_loop(0, per // _K, chunk, 0)


def kernel(x, pos_embedding_weight):
    bs, seq = x.shape
    mesh = plsc.VectorSubcoreMesh(core_axis_name="c", subcore_axis_name="s")
    k = functools.partial(
        pl.kernel,
        mesh=mesh,
        out_type=jax.ShapeDtypeStruct((bs, seq, D_MODEL), jnp.float32),
        scratch_types=[
            pltpu.VMEM((seq, D_MODEL), jnp.float32),
            pltpu.SemaphoreType.DMA,
        ],
    )(_sc_bcast)
    return k(pos_embedding_weight[:seq])

# --- scband reference (transcript-rebuilt; emitter-appended) ---
"""Pipeline reference for scband-positional-encoding-33646773796893 (READ-ONLY COPY).

The authoritative reference and input builder live on the scoring server;
editing this copy changes nothing except your own understanding.
"""

import jax, jax.numpy as jnp
import numpy as np

D_MODEL = 128
MAX_LEN = 200
BATCH = 4096
SEQ = 200

def setup_inputs(seed: int = 0) -> dict:
    key = jax.random.key(seed)
    k1, k2 = jax.random.split(key)
    x = jax.random.randint(k1, (BATCH, SEQ), 0, 199, dtype=jnp.int64) if jax.config.jax_enable_x64 else jax.random.randint(k1, (BATCH, SEQ), 0, 199, dtype=jnp.int32)
    pos_embedding_weight = jax.random.normal(k2, (MAX_LEN, D_MODEL), dtype=jnp.float32) * 0.02
    return {"x": x, "pos_embedding_weight": pos_embedding_weight}

def reference(x, pos_embedding_weight):
    bs, seq = x.shape
    pos = jnp.broadcast_to(jnp.arange(seq, dtype=jnp.int32)[None, :], (bs, seq))
    out = jnp.take(pos_embedding_weight, pos, axis=0)
    return out

if __name__ == "__main__":
    import jax
    _d = setup_inputs()
    print(jax.jit(kernel)(*tuple(_d.values())))

</pallas_src>

<mosaic_0001>
#map = affine_map<(d0, d1) -> (0, 0)>
#map1 = affine_map<(d0, d1) -> (0, 0, 0)>
module attributes {stable_mosaic.version = 14 : i64} {
  func.func @_sc_bcast(%arg0: i32, %arg1: i32, %arg2: memref<200x128xf32, #tpu.memory_space<hbm>>, %arg3: memref<4096x200x128xf32, #tpu.memory_space<hbm>>, %arg4: memref<200x128xf32, #tpu.memory_space<vmem>>, %arg5: memref<!tpu.dma_semaphore, #tpu.memory_space<semaphore_mem>>) attributes {dimension_semantics = [#tpu.dimension_semantics<core_parallel>, #tpu.dimension_semantics<subcore_parallel>], iteration_bounds = array<i64: 2, 16>, scalar_prefetch = 0 : i64, scratch_operands = 2 : i64, tpu.core_type = #tpu.core_type<sc_vector_subcore>, window_params = [{transform_indices = #map}, {transform_indices = #map1}]} {
    %mul3A = arith.constant 2 : i32
    %mul3A_0 = arith.muli %arg1, %mul3A : i32
    %add3A = arith.addi %mul3A_0, %arg0 : i32
    %mul3A_1 = arith.constant 128 : i32
    %mul3A_2 = arith.muli %add3A, %mul3A_1 : i32
    "tpu.region"() ({
      %run_scoped3A = tpu.sem_alloc : memref<!tpu.dma_semaphore, #tpu.memory_space<semaphore_mem>>
      tpu.enqueue_dma source(%arg2 : memref<200x128xf32, #tpu.memory_space<hbm>>) target(%arg4 : memref<200x128xf32, #tpu.memory_space<vmem>>) target_semaphore(%run_scoped3A : memref<!tpu.dma_semaphore, #tpu.memory_space<semaphore_mem>>)
      tpu.wait_dma2 semaphore(%run_scoped3A : memref<!tpu.dma_semaphore, #tpu.memory_space<semaphore_mem>>) src(%arg2 : memref<200x128xf32, #tpu.memory_space<hbm>>) dst(%arg4 : memref<200x128xf32, #tpu.memory_space<vmem>>)
      tpu.yield
    }) : () -> ()
    %scan3A = arith.constant 0 : i32
    %scan3A_3 = arith.constant 0 : i32
    %scan3A_4 = arith.constant 8 : i32
    %scan3A_5 = arith.addi %scan3A_3, %scan3A_4 : i32
    %scan3A_6 = arith.constant 1 : i32
    scf.for %scan3A_8 = %scan3A_3 to %scan3A_5 step %scan3A_6  : i32 {
      %mul3A_9 = arith.constant 16 : i32
      %mul3A_10 = arith.muli %scan3A_8, %mul3A_9 : i32
      %add3A_11 = arith.addi %mul3A_2, %mul3A_10 : i32
      %add3A_12 = arith.constant 0 : i32
      %add3A_13 = arith.addi %add3A_11, %add3A_12 : i32
      %dma_start3A = arith.constant 0 : i32
      %dma_start3A_14 = arith.constant 0 : i32
      %dma_start3A_15 = tpu.memref_slice %arg3[%add3A_13, %dma_start3A, %dma_start3A_14] : memref<4096x200x128xf32, #tpu.memory_space<hbm>> -> memref<1x200x128xf32, #tpu.memory_space<hbm>>
      %dma_start3A_16 = tpu.memref_squeeze %dma_start3A_15 : memref<1x200x128xf32, #tpu.memory_space<hbm>> -> memref<200x128xf32, #tpu.memory_space<hbm>>
      %dma_start3A_17 = arith.constant 0 : i32
      %dma_start3A_18 = arith.constant 0 : i32
      %dma_start3A_19 = tpu.memref_slice %arg3[%add3A_13, %dma_start3A_17, %dma_start3A_18] : memref<4096x200x128xf32, #tpu.memory_space<hbm>> -> memref<1x200x128xf32, #tpu.memory_space<hbm>>
      %dma_start3A_20 = tpu.memref_squeeze %dma_start3A_19 : memref<1x200x128xf32, #tpu.memory_space<hbm>> -> memref<200x128xf32, #tpu.memory_space<hbm>>
      tpu.enqueue_dma source(%arg4 : memref<200x128xf32, #tpu.memory_space<vmem>>) target(%dma_start3A_20 : memref<200x128xf32, #tpu.memory_space<hbm>>) target_semaphore(%arg5 : memref<!tpu.dma_semaphore, #tpu.memory_space<semaphore_mem>>)
      %dma_start3A_21 = arith.constant 0 : i32
      %dma_start3A_22 = arith.constant 0 : i32
      %dma_start3A_23 = tpu.memref_slice %arg3[%add3A_13, %dma_start3A_21, %dma_start3A_22] : memref<4096x200x128xf32, #tpu.memory_space<hbm>> -> memref<1x200x128xf32, #tpu.memory_space<hbm>>
      %dma_start3A_24 = tpu.memref_squeeze %dma_start3A_23 : memref<1x200x128xf32, #tpu.memory_space<hbm>> -> memref<200x128xf32, #tpu.memory_space<hbm>>
      %dma_start3A_25 = arith.constant 0 : i32
      %dma_start3A_26 = arith.constant 0 : i32
      %dma_start3A_27 = tpu.memref_slice %arg3[%add3A_13, %dma_start3A_25, %dma_start3A_26] : memref<4096x200x128xf32, #tpu.memory_space<hbm>> -> memref<1x200x128xf32, #tpu.memory_space<hbm>>
      %dma_start3A_28 = tpu.memref_squeeze %dma_start3A_27 : memref<1x200x128xf32, #tpu.memory_space<hbm>> -> memref<200x128xf32, #tpu.memory_space<hbm>>
      tpu.enqueue_dma source(%arg4 : memref<200x128xf32, #tpu.memory_space<vmem>>) target(%dma_start3A_28 : memref<200x128xf32, #tpu.memory_space<hbm>>) target_semaphore(%arg5 : memref<!tpu.dma_semaphore, #tpu.memory_space<semaphore_mem>>)
      %mul3A_29 = arith.constant 16 : i32
      %mul3A_30 = arith.muli %scan3A_8, %mul3A_29 : i32
      %add3A_31 = arith.addi %mul3A_2, %mul3A_30 : i32
      %add3A_32 = arith.constant 1 : i32
      %add3A_33 = arith.addi %add3A_31, %add3A_32 : i32
      %dma_start3A_34 = arith.constant 0 : i32
      %dma_start3A_35 = arith.constant 0 : i32
      %dma_start3A_36 = tpu.memref_slice %arg3[%add3A_33, %dma_start3A_34, %dma_start3A_35] : memref<4096x200x128xf32, #tpu.memory_space<hbm>> -> memref<1x200x128xf32, #tpu.memory_space<hbm>>
      %dma_start3A_37 = tpu.memref_squeeze %dma_start3A_36 : memref<1x200x128xf32, #tpu.memory_space<hbm>> -> memref<200x128xf32, #tpu.memory_space<hbm>>
      %dma_start3A_38 = arith.constant 0 : i32
      %dma_start3A_39 = arith.constant 0 : i32
      %dma_start3A_40 = tpu.memref_slice %arg3[%add3A_33, %dma_start3A_38, %dma_start3A_39] : memref<4096x200x128xf32, #tpu.memory_space<hbm>> -> memref<1x200x128xf32, #tpu.memory_space<hbm>>
      %dma_start3A_41 = tpu.memref_squeeze %dma_start3A_40 : memref<1x200x128xf32, #tpu.memory_space<hbm>> -> memref<200x128xf32, #tpu.memory_space<hbm>>
      tpu.enqueue_dma source(%arg4 : memref<200x128xf32, #tpu.memory_space<vmem>>) target(%dma_start3A_41 : memref<200x128xf32, #tpu.memory_space<hbm>>) target_semaphore(%arg5 : memref<!tpu.dma_semaphore, #tpu.memory_space<semaphore_mem>>)
      %dma_start3A_42 = arith.constant 0 : i32
      %dma_start3A_43 = arith.constant 0 : i32
      %dma_start3A_44 = tpu.memref_slice %arg3[%add3A_33, %dma_start3A_42, %dma_start3A_43] : memref<4096x200x128xf32, #tpu.memory_space<hbm>> -> memref<1x200x128xf32, #tpu.memory_space<hbm>>
      %dma_start3A_45 = tpu.memref_squeeze %dma_start3A_44 : memref<1x200x128xf32, #tpu.memory_space<hbm>> -> memref<200x128xf32, #tpu.memory_space<hbm>>
      %dma_start3A_46 = arith.constant 0 : i32
      %dma_start3A_47 = arith.constant 0 : i32
      %dma_start3A_48 = tpu.memref_slice %arg3[%add3A_33, %dma_start3A_46, %dma_start3A_47] : memref<4096x200x128xf32, #tpu.memory_space<hbm>> -> memref<1x200x128xf32, #tpu.memory_space<hbm>>
      %dma_start3A_49 = tpu.memref_squeeze %dma_start3A_48 : memref<1x200x128xf32, #tpu.memory_space<hbm>> -> memref<200x128xf32, #tpu.memory_space<hbm>>
      tpu.enqueue_dma source(%arg4 : memref<200x128xf32, #tpu.memory_space<vmem>>) target(%dma_start3A_49 : memref<200x128xf32, #tpu.memory_space<hbm>>) target_semaphore(%arg5 : memref<!tpu.dma_semaphore, #tpu.memory_space<semaphore_mem>>)
      %mul3A_50 = arith.constant 16 : i32
      %mul3A_51 = arith.muli %scan3A_8, %mul3A_50 : i32
      %add3A_52 = arith.addi %mul3A_2, %mul3A_51 : i32
      %add3A_53 = arith.constant 2 : i32
      %add3A_54 = arith.addi %add3A_52, %add3A_53 : i32
      %dma_start3A_55 = arith.constant 0 : i32
      %dma_start3A_56 = arith.constant 0 : i32
      %dma_start3A_57 = tpu.memref_slice %arg3[%add3A_54, %dma_start3A_55, %dma_start3A_56] : memref<4096x200x128xf32, #tpu.memory_space<hbm>> -> memref<1x200x128xf32, #tpu.memory_space<hbm>>
      %dma_start3A_58 = tpu.memref_squeeze %dma_start3A_57 : memref<1x200x128xf32, #tpu.memory_space<hbm>> -> memref<200x128xf32, #tpu.memory_space<hbm>>
      %dma_start3A_59 = arith.constant 0 : i32
      %dma_start3A_60 = arith.constant 0 : i32
      %dma_start3A_61 = tpu.memref_slice %arg3[%add3A_54, %dma_start3A_59, %dma_start3A_60] : memref<4096x200x128xf32, #tpu.memory_space<hbm>> -> memref<1x200x128xf32, #tpu.memory_space<hbm>>
      %dma_start3A_62 = tpu.memref_squeeze %dma_start3A_61 : memref<1x200x128xf32, #tpu.memory_space<hbm>> -> memref<200x128xf32, #tpu.memory_space<hbm>>
      tpu.enqueue_dma source(%arg4 : memref<200x128xf32, #tpu.memory_space<vmem>>) target(%dma_start3A_62 : memref<200x128xf32, #tpu.memory_space<hbm>>) target_semaphore(%arg5 : memref<!tpu.dma_semaphore, #tpu.memory_space<semaphore_mem>>)
      %dma_start3A_63 = arith.constant 0 : i32
      %dma_start3A_64 = arith.constant 0 : i32
      %dma_start3A_65 = tpu.memref_slice %arg3[%add3A_54, %dma_start3A_63, %dma_start3A_64] : memref<4096x200x128xf32, #tpu.memory_space<hbm>> -> memref<1x200x128xf32, #tpu.memory_space<hbm>>
      %dma_start3A_66 = tpu.memref_squeeze %dma_start3A_65 : memref<1x200x128xf32, #tpu.memory_space<hbm>> -> memref<200x128xf32, #tpu.memory_space<hbm>>
      %dma_start3A_67 = arith.constant 0 : i32
      %dma_start3A_68 = arith.constant 0 : i32
      %dma_start3A_69 = tpu.memref_slice %arg3[%add3A_54, %dma_start3A_67, %dma_start3A_68] : memref<4096x200x128xf32, #tpu.memory_space<hbm>> -> memref<1x200x128xf32, #tpu.memory_space<hbm>>
      %dma_start3A_70 = tpu.memref_squeeze %dma_start3A_69 : memref<1x200x128xf32, #tpu.memory_space<hbm>> -> memref<200x128xf32, #tpu.memory_space<hbm>>
      tpu.enqueue_dma source(%arg4 : memref<200x128xf32, #tpu.memory_space<vmem>>) target(%dma_start3A_70 : memref<200x128xf32, #tpu.memory_space<hbm>>) target_semaphore(%arg5 : memref<!tpu.dma_semaphore, #tpu.memory_space<semaphore_mem>>)
      %mul3A_71 = arith.constant 16 : i32
      %mul3A_72 = arith.muli %scan3A_8, %mul3A_71 : i32
      %add3A_73 = arith.addi %mul3A_2, %mul3A_72 : i32
      %add3A_74 = arith.constant 3 : i32
      %add3A_75 = arith.addi %add3A_73, %add3A_74 : i32
      %dma_start3A_76 = arith.constant 0 : i32
      %dma_start3A_77 = arith.constant 0 : i32
      %dma_start3A_78 = tpu.memref_slice %arg3[%add3A_75, %dma_start3A_76, %dma_start3A_77] : memref<4096x200x128xf32, #tpu.memory_space<hbm>> -> memref<1x200x128xf32, #tpu.memory_space<hbm>>
      %dma_start3A_79 = tpu.memref_squeeze %dma_start3A_78 : memref<1x200x128xf32, #tpu.memory_space<hbm>> -> memref<200x128xf32, #tpu.memory_space<hbm>>
      %dma_start3A_80 = arith.constant 0 : i32
      %dma_start3A_81 = arith.constant 0 : i32
      %dma_start3A_82 = tpu.memref_slice %arg3[%add3A_75, %dma_start3A_80, %dma_start3A_81] : memref<4096x200x128xf32, #tpu.memory_space<hbm>> -> memref<1x200x128xf32, #tpu.memory_space<hbm>>
      %dma_start3A_83 = tpu.memref_squeeze %dma_start3A_82 : memref<1x200x128xf32, #tpu.memory_space<hbm>> -> memref<200x128xf32, #tpu.memory_space<hbm>>
      tpu.enqueue_dma source(%arg4 : memref<200x128xf32, #tpu.memory_space<vmem>>) target(%dma_start3A_83 : memref<200x128xf32, #tpu.memory_space<hbm>>) target_semaphore(%arg5 : memref<!tpu.dma_semaphore, #tpu.memory_space<semaphore_mem>>)
      %dma_start3A_84 = arith.constant 0 : i32
      %dma_start3A_85 = arith.constant 0 : i32
      %dma_start3A_86 = tpu.memref_slice %arg3[%add3A_75, %dma_start3A_84, %dma_start3A_85] : memref<4096x200x128xf32, #tpu.memory_space<hbm>> -> memref<1x200x128xf32, #tpu.memory_space<hbm>>
      %dma_start3A_87 = tpu.memref_squeeze %dma_start3A_86 : memref<1x200x128xf32, #tpu.memory_space<hbm>> -> memref<200x128xf32, #tpu.memory_space<hbm>>
      %dma_start3A_88 = arith.constant 0 : i32
      %dma_start3A_89 = arith.constant 0 : i32
      %dma_start3A_90 = tpu.memref_slice %arg3[%add3A_75, %dma_start3A_88, %dma_start3A_89] : memref<4096x200x128xf32, #tpu.memory_space<hbm>> -> memref<1x200x128xf32, #tpu.memory_space<hbm>>
      %dma_start3A_91 = tpu.memref_squeeze %dma_start3A_90 : memref<1x200x128xf32, #tpu.memory_space<hbm>> -> memref<200x128xf32, #tpu.memory_space<hbm>>
      tpu.enqueue_dma source(%arg4 : memref<200x128xf32, #tpu.memory_space<vmem>>) target(%dma_start3A_91 : memref<200x128xf32, #tpu.memory_space<hbm>>) target_semaphore(%arg5 : memref<!tpu.dma_semaphore, #tpu.memory_space<semaphore_mem>>)
      %mul3A_92 = arith.constant 16 : i32
      %mul3A_93 = arith.muli %scan3A_8, %mul3A_92 : i32
      %add3A_94 = arith.addi %mul3A_2, %mul3A_93 : i32
      %add3A_95 = arith.constant 4 : i32
      %add3A_96 = arith.addi %add3A_94, %add3A_95 : i32
      %dma_start3A_97 = arith.constant 0 : i32
      %dma_start3A_98 = arith.constant 0 : i32
      %dma_start3A_99 = tpu.memref_slice %arg3[%add3A_96, %dma_start3A_97, %dma_start3A_98] : memref<4096x200x128xf32, #tpu.memory_space<hbm>> -> memref<1x200x128xf32, #tpu.memory_space<hbm>>
      %dma_start3A_100 = tpu.memref_squeeze %dma_start3A_99 : memref<1x200x128xf32, #tpu.memory_space<hbm>> -> memref<200x128xf32, #tpu.memory_space<hbm>>
      %dma_start3A_101 = arith.constant 0 : i32
      %dma_start3A_102 = arith.constant 0 : i32
      %dma_start3A_103 = tpu.memref_slice %arg3[%add3A_96, %dma_start3A_101, %dma_start3A_102] : memref<4096x200x128xf32, #tpu.memory_space<hbm>> -> memref<1x200x128xf32, #tpu.memory_space<hbm>>
      %dma_start3A_104 = tpu.memref_squeeze %dma_start3A_103 : memref<1x200x128xf32, #tpu.memory_space<hbm>> -> memref<200x128xf32, #tpu.memory_space<hbm>>
      tpu.enqueue_dma source(%arg4 : memref<200x128xf32, #tpu.memory_space<vmem>>) target(%dma_start3A_104 : memref<200x128xf32, #tpu.memory_space<hbm>>) target_semaphore(%arg5 : memref<!tpu.dma_semaphore, #tpu.memory_space<semaphore_mem>>)
      %dma_start3A_105 = arith.constant 0 : i32
      %dma_start3A_106 = arith.constant 0 : i32
      %dma_start3A_107 = tpu.memref_slice %arg3[%add3A_96, %dma_start3A_105, %dma_start3A_106] : memref<4096x200x128xf32, #tpu.memory_space<hbm>> -> memref<1x200x128xf32, #tpu.memory_space<hbm>>
      %dma_start3A_108 = tpu.memref_squeeze %dma_start3A_107 : memref<1x200x128xf32, #tpu.memory_space<hbm>> -> memref<200x128xf32, #tpu.memory_space<hbm>>
      %dma_start3A_109 = arith.constant 0 : i32
      %dma_start3A_110 = arith.constant 0 : i32
      %dma_start3A_111 = tpu.memref_slice %arg3[%add3A_96, %dma_start3A_109, %dma_start3A_110] : memref<4096x200x128xf32, #tpu.memory_space<hbm>> -> memref<1x200x128xf32, #tpu.memory_space<hbm>>
      %dma_start3A_112 = tpu.memref_squeeze %dma_start3A_111 : memref<1x200x128xf32, #tpu.memory_space<hbm>> -> memref<200x128xf32, #tpu.memory_space<hbm>>
      tpu.enqueue_dma source(%arg4 : memref<200x128xf32, #tpu.memory_space<vmem>>) target(%dma_start3A_112 : memref<200x128xf32, #tpu.memory_space<hbm>>) target_semaphore(%arg5 : memref<!tpu.dma_semaphore, #tpu.memory_space<semaphore_mem>>)
      %mul3A_113 = arith.constant 16 : i32
      %mul3A_114 = arith.muli %scan3A_8, %mul3A_113 : i32
      %add3A_115 = arith.addi %mul3A_2, %mul3A_114 : i32
      %add3A_116 = arith.constant 5 : i32
      %add3A_117 = arith.addi %add3A_115, %add3A_116 : i32
      %dma_start3A_118 = arith.constant 0 : i32
      %dma_start3A_119 = arith.constant 0 : i32
      %dma_start3A_120 = tpu.memref_slice %arg3[%add3A_117, %dma_start3A_118, %dma_start3A_119] : memref<4096x200x128xf32, #tpu.memory_space<hbm>> -> memref<1x200x128xf32, #tpu.memory_space<hbm>>
      %dma_start3A_121 = tpu.memref_squeeze %dma_start3A_120 : memref<1x200x128xf32, #tpu.memory_space<hbm>> -> memref<200x128xf32, #tpu.memory_space<hbm>>
      %dma_start3A_122 = arith.constant 0 : i32
      %dma_start3A_123 = arith.constant 0 : i32
      %dma_start3A_124 = tpu.memref_slice %arg3[%add3A_117, %dma_start3A_122, %dma_start3A_123] : memref<4096x200x128xf32, #tpu.memory_space<hbm>> -> memref<1x200x128xf32, #tpu.memory_space<hbm>>
      %dma_start3A_125 = tpu.memref_squeeze %dma_start3A_124 : memref<1x200x128xf32, #tpu.memory_space<hbm>> -> memref<200x128xf32, #tpu.memory_space<hbm>>
      tpu.enqueue_dma source(%arg4 : memref<200x128xf32, #tpu.memory_space<vmem>>) target(%dma_start3A_125 : memref<200x128xf32, #tpu.memory_space<hbm>>) target_semaphore(%arg5 : memref<!tpu.dma_semaphore, #tpu.memory_space<semaphore_mem>>)
      %dma_start3A_126 = arith.constant 0 : i32
      %dma_start3A_127 = arith.constant 0 : i32
      %dma_start3A_128 = tpu.memref_slice %arg3[%add3A_117, %dma_start3A_126, %dma_start3A_127] : memref<4096x200x128xf32, #tpu.memory_space<hbm>> -> memref<1x200x128xf32, #tpu.memory_space<hbm>>
      %dma_start3A_129 = tpu.memref_squeeze %dma_start3A_128 : memref<1x200x128xf32, #tpu.memory_space<hbm>> -> memref<200x128xf32, #tpu.memory_space<hbm>>
      %dma_start3A_130 = arith.constant 0 : i32
      %dma_start3A_131 = arith.constant 0 : i32
      %dma_start3A_132 = tpu.memref_slice %arg3[%add3A_117, %dma_start3A_130, %dma_start3A_131] : memref<4096x200x128xf32, #tpu.memory_space<hbm>> -> memref<1x200x128xf32, #tpu.memory_space<hbm>>
      %dma_start3A_133 = tpu.memref_squeeze %dma_start3A_132 : memref<1x200x128xf32, #tpu.memory_space<hbm>> -> memref<200x128xf32, #tpu.memory_space<hbm>>
      tpu.enqueue_dma source(%arg4 : memref<200x128xf32, #tpu.memory_space<vmem>>) target(%dma_start3A_133 : memref<200x128xf32, #tpu.memory_space<hbm>>) target_semaphore(%arg5 : memref<!tpu.dma_semaphore, #tpu.memory_space<semaphore_mem>>)
      %mul3A_134 = arith.constant 16 : i32
      %mul3A_135 = arith.muli %scan3A_8, %mul3A_134 : i32
      %add3A_136 = arith.addi %mul3A_2, %mul3A_135 : i32
      %add3A_137 = arith.constant 6 : i32
      %add3A_138 = arith.addi %add3A_136, %add3A_137 : i32
      %dma_start3A_139 = arith.constant 0 : i32
      %dma_start3A_140 = arith.constant 0 : i32
      %dma_start3A_141 = tpu.memref_slice %arg3[%add3A_138, %dma_start3A_139, %dma_start3A_140] : memref<4096x200x128xf32, #tpu.memory_space<hbm>> -> memref<1x200x128xf32, #tpu.memory_space<hbm>>
      %dma_start3A_142 = tpu.memref_squeeze %dma_start3A_141 : memref<1x200x128xf32, #tpu.memory_space<hbm>> -> memref<200x128xf32, #tpu.memory_space<hbm>>
      %dma_start3A_143 = arith.constant 0 : i32
      %dma_start3A_144 = arith.constant 0 : i32
      %dma_start3A_145 = tpu.memref_slice %arg3[%add3A_138, %dma_start3A_143, %dma_start3A_144] : memref<4096x200x128xf32, #tpu.memory_space<hbm>> -> memref<1x200x128xf32, #tpu.memory_space<hbm>>
      %dma_start3A_146 = tpu.memref_squeeze %dma_start3A_145 : memref<1x200x128xf32, #tpu.memory_space<hbm>> -> memref<200x128xf32, #tpu.memory_space<hbm>>
      tpu.enqueue_dma source(%arg4 : memref<200x128xf32, #tpu.memory_space<vmem>>) target(%dma_start3A_146 : memref<200x128xf32, #tpu.memory_space<hbm>>) target_semaphore(%arg5 : memref<!tpu.dma_semaphore, #tpu.memory_space<semaphore_mem>>)
      %dma_start3A_147 = arith.constant 0 : i32
      %dma_start3A_148 = arith.constant 0 : i32
      %dma_start3A_149 = tpu.memref_slice %arg3[%add3A_138, %dma_start3A_147, %dma_start3A_148] : memref<4096x200x128xf32, #tpu.memory_space<hbm>> -> memref<1x200x128xf32, #tpu.memory_space<hbm>>
      %dma_start3A_150 = tpu.memref_squeeze %dma_start3A_149 : memref<1x200x128xf32, #tpu.memory_space<hbm>> -> memref<200x128xf32, #tpu.memory_space<hbm>>
      %dma_start3A_151 = arith.constant 0 : i32
      %dma_start3A_152 = arith.constant 0 : i32
      %dma_start3A_153 = tpu.memref_slice %arg3[%add3A_138, %dma_start3A_151, %dma_start3A_152] : memref<4096x200x128xf32, #tpu.memory_space<hbm>> -> memref<1x200x128xf32, #tpu.memory_space<hbm>>
      %dma_start3A_154 = tpu.memref_squeeze %dma_start3A_153 : memref<1x200x128xf32, #tpu.memory_space<hbm>> -> memref<200x128xf32, #tpu.memory_space<hbm>>
      tpu.enqueue_dma source(%arg4 : memref<200x128xf32, #tpu.memory_space<vmem>>) target(%dma_start3A_154 : memref<200x128xf32, #tpu.memory_space<hbm>>) target_semaphore(%arg5 : memref<!tpu.dma_semaphore, #tpu.memory_space<semaphore_mem>>)
      %mul3A_155 = arith.constant 16 : i32
      %mul3A_156 = arith.muli %scan3A_8, %mul3A_155 : i32
      %add3A_157 = arith.addi %mul3A_2, %mul3A_156 : i32
      %add3A_158 = arith.constant 7 : i32
      %add3A_159 = arith.addi %add3A_157, %add3A_158 : i32
      %dma_start3A_160 = arith.constant 0 : i32
      %dma_start3A_161 = arith.constant 0 : i32
      %dma_start3A_162 = tpu.memref_slice %arg3[%add3A_159, %dma_start3A_160, %dma_start3A_161] : memref<4096x200x128xf32, #tpu.memory_space<hbm>> -> memref<1x200x128xf32, #tpu.memory_space<hbm>>
      %dma_start3A_163 = tpu.memref_squeeze %dma_start3A_162 : memref<1x200x128xf32, #tpu.memory_space<hbm>> -> memref<200x128xf32, #tpu.memory_space<hbm>>
      %dma_start3A_164 = arith.constant 0 : i32
      %dma_start3A_165 = arith.constant 0 : i32
      %dma_start3A_166 = tpu.memref_slice %arg3[%add3A_159, %dma_start3A_164, %dma_start3A_165] : memref<4096x200x128xf32, #tpu.memory_space<hbm>> -> memref<1x200x128xf32, #tpu.memory_space<hbm>>
      %dma_start3A_167 = tpu.memref_squeeze %dma_start3A_166 : memref<1x200x128xf32, #tpu.memory_space<hbm>> -> memref<200x128xf32, #tpu.memory_space<hbm>>
      tpu.enqueue_dma source(%arg4 : memref<200x128xf32, #tpu.memory_space<vmem>>) target(%dma_start3A_167 : memref<200x128xf32, #tpu.memory_space<hbm>>) target_semaphore(%arg5 : memref<!tpu.dma_semaphore, #tpu.memory_space<semaphore_mem>>)
      %dma_start3A_168 = arith.constant 0 : i32
      %dma_start3A_169 = arith.constant 0 : i32
      %dma_start3A_170 = tpu.memref_slice %arg3[%add3A_159, %dma_start3A_168, %dma_start3A_169] : memref<4096x200x128xf32, #tpu.memory_space<hbm>> -> memref<1x200x128xf32, #tpu.memory_space<hbm>>
      %dma_start3A_171 = tpu.memref_squeeze %dma_start3A_170 : memref<1x200x128xf32, #tpu.memory_space<hbm>> -> memref<200x128xf32, #tpu.memory_space<hbm>>
      %dma_start3A_172 = arith.constant 0 : i32
      %dma_start3A_173 = arith.constant 0 : i32
      %dma_start3A_174 = tpu.memref_slice %arg3[%add3A_159, %dma_start3A_172, %dma_start3A_173] : memref<4096x200x128xf32, #tpu.memory_space<hbm>> -> memref<1x200x128xf32, #tpu.memory_space<hbm>>
      %dma_start3A_175 = tpu.memref_squeeze %dma_start3A_174 : memref<1x200x128xf32, #tpu.memory_space<hbm>> -> memref<200x128xf32, #tpu.memory_space<hbm>>
      tpu.enqueue_dma source(%arg4 : memref<200x128xf32, #tpu.memory_space<vmem>>) target(%dma_start3A_175 : memref<200x128xf32, #tpu.memory_space<hbm>>) target_semaphore(%arg5 : memref<!tpu.dma_semaphore, #tpu.memory_space<semaphore_mem>>)
      %mul3A_176 = arith.constant 16 : i32
      %mul3A_177 = arith.muli %scan3A_8, %mul3A_176 : i32
      %add3A_178 = arith.addi %mul3A_2, %mul3A_177 : i32
      %add3A_179 = arith.constant 8 : i32
      %add3A_180 = arith.addi %add3A_178, %add3A_179 : i32
      %dma_start3A_181 = arith.constant 0 : i32
      %dma_start3A_182 = arith.constant 0 : i32
      %dma_start3A_183 = tpu.memref_slice %arg3[%add3A_180, %dma_start3A_181, %dma_start3A_182] : memref<4096x200x128xf32, #tpu.memory_space<hbm>> -> memref<1x200x128xf32, #tpu.memory_space<hbm>>
      %dma_start3A_184 = tpu.memref_squeeze %dma_start3A_183 : memref<1x200x128xf32, #tpu.memory_space<hbm>> -> memref<200x128xf32, #tpu.memory_space<hbm>>
      %dma_start3A_185 = arith.constant 0 : i32
      %dma_start3A_186 = arith.constant 0 : i32
      %dma_start3A_187 = tpu.memref_slice %arg3[%add3A_180, %dma_start3A_185, %dma_start3A_186] : memref<4096x200x128xf32, #tpu.memory_space<hbm>> -> memref<1x200x128xf32, #tpu.memory_space<hbm>>
      %dma_start3A_188 = tpu.memref_squeeze %dma_start3A_187 : memref<1x200x128xf32, #tpu.memory_space<hbm>> -> memref<200x128xf32, #tpu.memory_space<hbm>>
      tpu.enqueue_dma source(%arg4 : memref<200x128xf32, #tpu.memory_space<vmem>>) target(%dma_start3A_188 : memref<200x128xf32, #tpu.memory_space<hbm>>) target_semaphore(%arg5 : memref<!tpu.dma_semaphore, #tpu.memory_space<semaphore_mem>>)
      %dma_start3A_189 = arith.constant 0 : i32
      %dma_start3A_190 = arith.constant 0 : i32
      %dma_start3A_191 = tpu.memref_slice %arg3[%add3A_180, %dma_start3A_189, %dma_start3A_190] : memref<4096x200x128xf32, #tpu.memory_space<hbm>> -> memref<1x200x128xf32, #tpu.memory_space<hbm>>
      %dma_start3A_192 = tpu.memref_squeeze %dma_start3A_191 : memref<1x200x128xf32, #tpu.memory_space<hbm>> -> memref<200x128xf32, #tpu.memory_space<hbm>>
      %dma_start3A_193 = arith.constant 0 : i32
      %dma_start3A_194 = arith.constant 0 : i32
      %dma_start3A_195 = tpu.memref_slice %arg3[%add3A_180, %dma_start3A_193, %dma_start3A_194] : memref<4096x200x128xf32, #tpu.memory_space<hbm>> -> memref<1x200x128xf32, #tpu.memory_space<hbm>>
      %dma_start3A_196 = tpu.memref_squeeze %dma_start3A_195 : memref<1x200x128xf32, #tpu.memory_space<hbm>> -> memref<200x128xf32, #tpu.memory_space<hbm>>
      tpu.enqueue_dma source(%arg4 : memref<200x128xf32, #tpu.memory_space<vmem>>) target(%dma_start3A_196 : memref<200x128xf32, #tpu.memory_space<hbm>>) target_semaphore(%arg5 : memref<!tpu.dma_semaphore, #tpu.memory_space<semaphore_mem>>)
      %mul3A_197 = arith.constant 16 : i32
      %mul3A_198 = arith.muli %scan3A_8, %mul3A_197 : i32
      %add3A_199 = arith.addi %mul3A_2, %mul3A_198 : i32
      %add3A_200 = arith.constant 9 : i32
      %add3A_201 = arith.addi %add3A_199, %add3A_200 : i32
      %dma_start3A_202 = arith.constant 0 : i32
      %dma_start3A_203 = arith.constant 0 : i32
      %dma_start3A_204 = tpu.memref_slice %arg3[%add3A_201, %dma_start3A_202, %dma_start3A_203] : memref<4096x200x128xf32, #tpu.memory_space<hbm>> -> memref<1x200x128xf32, #tpu.memory_space<hbm>>
      %dma_start3A_205 = tpu.memref_squeeze %dma_start3A_204 : memref<1x200x128xf32, #tpu.memory_space<hbm>> -> memref<200x128xf32, #tpu.memory_space<hbm>>
      %dma_start3A_206 = arith.constant 0 : i32
      %dma_start3A_207 = arith.constant 0 : i32
      %dma_start3A_208 = tpu.memref_slice %arg3[%add3A_201, %dma_start3A_206, %dma_start3A_207] : memref<4096x200x128xf32, #tpu.memory_space<hbm>> -> memref<1x200x128xf32, #tpu.memory_space<hbm>>
      %dma_start3A_209 = tpu.memref_squeeze %dma_start3A_208 : memref<1x200x128xf32, #tpu.memory_space<hbm>> -> memref<200x128xf32, #tpu.memory_space<hbm>>
      tpu.enqueue_dma source(%arg4 : memref<200x128xf32, #tpu.memory_space<vmem>>) target(%dma_start3A_209 : memref<200x128xf32, #tpu.memory_space<hbm>>) target_semaphore(%arg5 : memref<!tpu.dma_semaphore, #tpu.memory_space<semaphore_mem>>)
      %dma_start3A_210 = arith.constant 0 : i32
      %dma_start3A_211 = arith.constant 0 : i32
      %dma_start3A_212 = tpu.memref_slice %arg3[%add3A_201, %dma_start3A_210, %dma_start3A_211] : memref<4096x200x128xf32, #tpu.memory_space<hbm>> -> memref<1x200x128xf32, #tpu.memory_space<hbm>>
      %dma_start3A_213 = tpu.memref_squeeze %dma_start3A_212 : memref<1x200x128xf32, #tpu.memory_space<hbm>> -> memref<200x128xf32, #tpu.memory_space<hbm>>
      %dma_start3A_214 = arith.constant 0 : i32
      %dma_start3A_215 = arith.constant 0 : i32
      %dma_start3A_216 = tpu.memref_slice %arg3[%add3A_201, %dma_start3A_214, %dma_start3A_215] : memref<4096x200x128xf32, #tpu.memory_space<hbm>> -> memref<1x200x128xf32, #tpu.memory_space<hbm>>
      %dma_start3A_217 = tpu.memref_squeeze %dma_start3A_216 : memref<1x200x128xf32, #tpu.memory_space<hbm>> -> memref<200x128xf32, #tpu.memory_space<hbm>>
      tpu.enqueue_dma source(%arg4 : memref<200x128xf32, #tpu.memory_space<vmem>>) target(%dma_start3A_217 : memref<200x128xf32, #tpu.memory_space<hbm>>) target_semaphore(%arg5 : memref<!tpu.dma_semaphore, #tpu.memory_space<semaphore_mem>>)
      %mul3A_218 = arith.constant 16 : i32
      %mul3A_219 = arith.muli %scan3A_8, %mul3A_218 : i32
      %add3A_220 = arith.addi %mul3A_2, %mul3A_219 : i32
      %add3A_221 = arith.constant 10 : i32
      %add3A_222 = arith.addi %add3A_220, %add3A_221 : i32
      %dma_start3A_223 = arith.constant 0 : i32
      %dma_start3A_224 = arith.constant 0 : i32
      %dma_start3A_225 = tpu.memref_slice %arg3[%add3A_222, %dma_start3A_223, %dma_start3A_224] : memref<4096x200x128xf32, #tpu.memory_space<hbm>> -> memref<1x200x128xf32, #tpu.memory_space<hbm>>
      %dma_start3A_226 = tpu.memref_squeeze %dma_start3A_225 : memref<1x200x128xf32, #tpu.memory_space<hbm>> -> memref<200x128xf32, #tpu.memory_space<hbm>>
      %dma_start3A_227 = arith.constant 0 : i32
      %dma_start3A_228 = arith.constant 0 : i32
      %dma_start3A_229 = tpu.memref_slice %arg3[%add3A_222, %dma_start3A_227, %dma_start3A_228] : memref<4096x200x128xf32, #tpu.memory_space<hbm>> -> memref<1x200x128xf32, #tpu.memory_space<hbm>>
      %dma_start3A_230 = tpu.memref_squeeze %dma_start3A_229 : memref<1x200x128xf32, #tpu.memory_space<hbm>> -> memref<200x128xf32, #tpu.memory_space<hbm>>
      tpu.enqueue_dma source(%arg4 : memref<200x128xf32, #tpu.memory_space<vmem>>) target(%dma_start3A_230 : memref<200x128xf32, #tpu.memory_space<hbm>>) target_semaphore(%arg5 : memref<!tpu.dma_semaphore, #tpu.memory_space<semaphore_mem>>)
      %dma_start3A_231 = arith.constant 0 : i32
      %dma_start3A_232 = arith.constant 0 : i32
      %dma_start3A_233 = tpu.memref_slice %arg3[%add3A_222, %dma_start3A_231, %dma_start3A_232] : memref<4096x200x128xf32, #tpu.memory_space<hbm>> -> memref<1x200x128xf32, #tpu.memory_space<hbm>>
      %dma_start3A_234 = tpu.memref_squeeze %dma_start3A_233 : memref<1x200x128xf32, #tpu.memory_space<hbm>> -> memref<200x128xf32, #tpu.memory_space<hbm>>
      %dma_start3A_235 = arith.constant 0 : i32
      %dma_start3A_236 = arith.constant 0 : i32
      %dma_start3A_237 = tpu.memref_slice %arg3[%add3A_222, %dma_start3A_235, %dma_start3A_236] : memref<4096x200x128xf32, #tpu.memory_space<hbm>> -> memref<1x200x128xf32, #tpu.memory_space<hbm>>
      %dma_start3A_238 = tpu.memref_squeeze %dma_start3A_237 : memref<1x200x128xf32, #tpu.memory_space<hbm>> -> memref<200x128xf32, #tpu.memory_space<hbm>>
      tpu.enqueue_dma source(%arg4 : memref<200x128xf32, #tpu.memory_space<vmem>>) target(%dma_start3A_238 : memref<200x128xf32, #tpu.memory_space<hbm>>) target_semaphore(%arg5 : memref<!tpu.dma_semaphore, #tpu.memory_space<semaphore_mem>>)
      %mul3A_239 = arith.constant 16 : i32
      %mul3A_240 = arith.muli %scan3A_8, %mul3A_239 : i32
      %add3A_241 = arith.addi %mul3A_2, %mul3A_240 : i32
      %add3A_242 = arith.constant 11 : i32
      %add3A_243 = arith.addi %add3A_241, %add3A_242 : i32
      %dma_start3A_244 = arith.constant 0 : i32
      %dma_start3A_245 = arith.constant 0 : i32
      %dma_start3A_246 = tpu.memref_slice %arg3[%add3A_243, %dma_start3A_244, %dma_start3A_245] : memref<4096x200x128xf32, #tpu.memory_space<hbm>> -> memref<1x200x128xf32, #tpu.memory_space<hbm>>
      %dma_start3A_247 = tpu.memref_squeeze %dma_start3A_246 : memref<1x200x128xf32, #tpu.memory_space<hbm>> -> memref<200x128xf32, #tpu.memory_space<hbm>>
      %dma_start3A_248 = arith.constant 0 : i32
      %dma_start3A_249 = arith.constant 0 : i32
      %dma_start3A_250 = tpu.memref_slice %arg3[%add3A_243, %dma_start3A_248, %dma_start3A_249] : memref<4096x200x128xf32, #tpu.memory_space<hbm>> -> memref<1x200x128xf32, #tpu.memory_space<hbm>>
      %dma_start3A_251 = tpu.memref_squeeze %dma_start3A_250 : memref<1x200x128xf32, #tpu.memory_space<hbm>> -> memref<200x128xf32, #tpu.memory_space<hbm>>
      tpu.enqueue_dma source(%arg4 : memref<200x128xf32, #tpu.memory_space<vmem>>) target(%dma_start3A_251 : memref<200x128xf32, #tpu.memory_space<hbm>>) target_semaphore(%arg5 : memref<!tpu.dma_semaphore, #tpu.memory_space<semaphore_mem>>)
      %dma_start3A_252 = arith.constant 0 : i32
      %dma_start3A_253 = arith.constant 0 : i32
      %dma_start3A_254 = tpu.memref_slice %arg3[%add3A_243, %dma_start3A_252, %dma_start3A_253] : memref<4096x200x128xf32, #tpu.memory_space<hbm>> -> memref<1x200x128xf32, #tpu.memory_space<hbm>>
      %dma_start3A_255 = tpu.memref_squeeze %dma_start3A_254 : memref<1x200x128xf32, #tpu.memory_space<hbm>> -> memref<200x128xf32, #tpu.memory_space<hbm>>
      %dma_start3A_256 = arith.constant 0 : i32
      %dma_start3A_257 = arith.constant 0 : i32
      %dma_start3A_258 = tpu.memref_slice %arg3[%add3A_243, %dma_start3A_256, %dma_start3A_257] : memref<4096x200x128xf32, #tpu.memory_space<hbm>> -> memref<1x200x128xf32, #tpu.memory_space<hbm>>
      %dma_start3A_259 = tpu.memref_squeeze %dma_start3A_258 : memref<1x200x128xf32, #tpu.memory_space<hbm>> -> memref<200x128xf32, #tpu.memory_space<hbm>>
      tpu.enqueue_dma source(%arg4 : memref<200x128xf32, #tpu.memory_space<vmem>>) target(%dma_start3A_259 : memref<200x128xf32, #tpu.memory_space<hbm>>) target_semaphore(%arg5 : memref<!tpu.dma_semaphore, #tpu.memory_space<semaphore_mem>>)
      %mul3A_260 = arith.constant 16 : i32
      %mul3A_261 = arith.muli %scan3A_8, %mul3A_260 : i32
      %add3A_262 = arith.addi %mul3A_2, %mul3A_261 : i32
      %add3A_263 = arith.constant 12 : i32
      %add3A_264 = arith.addi %add3A_262, %add3A_263 : i32
      %dma_start3A_265 = arith.constant 0 : i32
      %dma_start3A_266 = arith.constant 0 : i32
      %dma_start3A_267 = tpu.memref_slice %arg3[%add3A_264, %dma_start3A_265, %dma_start3A_266] : memref<4096x200x128xf32, #tpu.memory_space<hbm>> -> memref<1x200x128xf32, #tpu.memory_space<hbm>>
      %dma_start3A_268 = tpu.memref_squeeze %dma_start3A_267 : memref<1x200x128xf32, #tpu.memory_space<hbm>> -> memref<200x128xf32, #tpu.memory_space<hbm>>
      %dma_start3A_269 = arith.constant 0 : i32
      %dma_start3A_270 = arith.constant 0 : i32
      %dma_start3A_271 = tpu.memref_slice %arg3[%add3A_264, %dma_start3A_269, %dma_start3A_270] : memref<4096x200x128xf32, #tpu.memory_space<hbm>> -> memref<1x200x128xf32, #tpu.memory_space<hbm>>
      %dma_start3A_272 = tpu.memref_squeeze %dma_start3A_271 : memref<1x200x128xf32, #tpu.memory_space<hbm>> -> memref<200x128xf32, #tpu.memory_space<hbm>>
      tpu.enqueue_dma source(%arg4 : memref<200x128xf32, #tpu.memory_space<vmem>>) target(%dma_start3A_272 : memref<200x128xf32, #tpu.memory_space<hbm>>) target_semaphore(%arg5 : memref<!tpu.dma_semaphore, #tpu.memory_space<semaphore_mem>>)
      %dma_start3A_273 = arith.constant 0 : i32
      %dma_start3A_274 = arith.constant 0 : i32
      %dma_start3A_275 = tpu.memref_slice %arg3[%add3A_264, %dma_start3A_273, %dma_start3A_274] : memref<4096x200x128xf32, #tpu.memory_space<hbm>> -> memref<1x200x128xf32, #tpu.memory_space<hbm>>
      %dma_start3A_276 = tpu.memref_squeeze %dma_start3A_275 : memref<1x200x128xf32, #tpu.memory_space<hbm>> -> memref<200x128xf32, #tpu.memory_space<hbm>>
      %dma_start3A_277 = arith.constant 0 : i32
      %dma_start3A_278 = arith.constant 0 : i32
      %dma_start3A_279 = tpu.memref_slice %arg3[%add3A_264, %dma_start3A_277, %dma_start3A_278] : memref<4096x200x128xf32, #tpu.memory_space<hbm>> -> memref<1x200x128xf32, #tpu.memory_space<hbm>>
      %dma_start3A_280 = tpu.memref_squeeze %dma_start3A_279 : memref<1x200x128xf32, #tpu.memory_space<hbm>> -> memref<200x128xf32, #tpu.memory_space<hbm>>
      tpu.enqueue_dma source(%arg4 : memref<200x128xf32, #tpu.memory_space<vmem>>) target(%dma_start3A_280 : memref<200x128xf32, #tpu.memory_space<hbm>>) target_semaphore(%arg5 : memref<!tpu.dma_semaphore, #tpu.memory_space<semaphore_mem>>)
      %mul3A_281 = arith.constant 16 : i32
      %mul3A_282 = arith.muli %scan3A_8, %mul3A_281 : i32
      %add3A_283 = arith.addi %mul3A_2, %mul3A_282 : i32
      %add3A_284 = arith.constant 13 : i32
      %add3A_285 = arith.addi %add3A_283, %add3A_284 : i32
      %dma_start3A_286 = arith.constant 0 : i32
      %dma_start3A_287 = arith.constant 0 : i32
      %dma_start3A_288 = tpu.memref_slice %arg3[%add3A_285, %dma_start3A_286, %dma_start3A_287] : memref<4096x200x128xf32, #tpu.memory_space<hbm>> -> memref<1x200x128xf32, #tpu.memory_space<hbm>>
      %dma_start3A_289 = tpu.memref_squeeze %dma_start3A_288 : memref<1x200x128xf32, #tpu.memory_space<hbm>> -> memref<200x128xf32, #tpu.memory_space<hbm>>
      %dma_start3A_290 = arith.constant 0 : i32
      %dma_start3A_291 = arith.constant 0 : i32
      %dma_start3A_292 = tpu.memref_slice %arg3[%add3A_285, %dma_start3A_290, %dma_start3A_291] : memref<4096x200x128xf32, #tpu.memory_space<hbm>> -> memref<1x200x128xf32, #tpu.memory_space<hbm>>
      %dma_start3A_293 = tpu.memref_squeeze %dma_start3A_292 : memref<1x200x128xf32, #tpu.memory_space<hbm>> -> memref<200x128xf32, #tpu.memory_space<hbm>>
      tpu.enqueue_dma source(%arg4 : memref<200x128xf32, #tpu.memory_space<vmem>>) target(%dma_start3A_293 : memref<200x128xf32, #tpu.memory_space<hbm>>) target_semaphore(%arg5 : memref<!tpu.dma_semaphore, #tpu.memory_space<semaphore_mem>>)
      %dma_start3A_294 = arith.constant 0 : i32
      %dma_start3A_295 = arith.constant 0 : i32
      %dma_start3A_296 = tpu.memref_slice %arg3[%add3A_285, %dma_start3A_294, %dma_start3A_295] : memref<4096x200x128xf32, #tpu.memory_space<hbm>> -> memref<1x200x128xf32, #tpu.memory_space<hbm>>
      %dma_start3A_297 = tpu.memref_squeeze %dma_start3A_296 : memref<1x200x128xf32, #tpu.memory_space<hbm>> -> memref<200x128xf32, #tpu.memory_space<hbm>>
      %dma_start3A_298 = arith.constant 0 : i32
      %dma_start3A_299 = arith.constant 0 : i32
      %dma_start3A_300 = tpu.memref_slice %arg3[%add3A_285, %dma_start3A_298, %dma_start3A_299] : memref<4096x200x128xf32, #tpu.memory_space<hbm>> -> memref<1x200x128xf32, #tpu.memory_space<hbm>>
      %dma_start3A_301 = tpu.memref_squeeze %dma_start3A_300 : memref<1x200x128xf32, #tpu.memory_space<hbm>> -> memref<200x128xf32, #tpu.memory_space<hbm>>
      tpu.enqueue_dma source(%arg4 : memref<200x128xf32, #tpu.memory_space<vmem>>) target(%dma_start3A_301 : memref<200x128xf32, #tpu.memory_space<hbm>>) target_semaphore(%arg5 : memref<!tpu.dma_semaphore, #tpu.memory_space<semaphore_mem>>)
      %mul3A_302 = arith.constant 16 : i32
      %mul3A_303 = arith.muli %scan3A_8, %mul3A_302 : i32
      %add3A_304 = arith.addi %mul3A_2, %mul3A_303 : i32
      %add3A_305 = arith.constant 14 : i32
      %add3A_306 = arith.addi %add3A_304, %add3A_305 : i32
      %dma_start3A_307 = arith.constant 0 : i32
      %dma_start3A_308 = arith.constant 0 : i32
      %dma_start3A_309 = tpu.memref_slice %arg3[%add3A_306, %dma_start3A_307, %dma_start3A_308] : memref<4096x200x128xf32, #tpu.memory_space<hbm>> -> memref<1x200x128xf32, #tpu.memory_space<hbm>>
      %dma_start3A_310 = tpu.memref_squeeze %dma_start3A_309 : memref<1x200x128xf32, #tpu.memory_space<hbm>> -> memref<200x128xf32, #tpu.memory_space<hbm>>
      %dma_start3A_311 = arith.constant 0 : i32
      %dma_start3A_312 = arith.constant 0 : i32
      %dma_start3A_313 = tpu.memref_slice %arg3[%add3A_306, %dma_start3A_311, %dma_start3A_312] : memref<4096x200x128xf32, #tpu.memory_space<hbm>> -> memref<1x200x128xf32, #tpu.memory_space<hbm>>
      %dma_start3A_314 = tpu.memref_squeeze %dma_start3A_313 : memref<1x200x128xf32, #tpu.memory_space<hbm>> -> memref<200x128xf32, #tpu.memory_space<hbm>>
      tpu.enqueue_dma source(%arg4 : memref<200x128xf32, #tpu.memory_space<vmem>>) target(%dma_start3A_314 : memref<200x128xf32, #tpu.memory_space<hbm>>) target_semaphore(%arg5 : memref<!tpu.dma_semaphore, #tpu.memory_space<semaphore_mem>>)
      %dma_start3A_315 = arith.constant 0 : i32
      %dma_start3A_316 = arith.constant 0 : i32
      %dma_start3A_317 = tpu.memref_slice %arg3[%add3A_306, %dma_start3A_315, %dma_start3A_316] : memref<4096x200x128xf32, #tpu.memory_space<hbm>> -> memref<1x200x128xf32, #tpu.memory_space<hbm>>
      %dma_start3A_318 = tpu.memref_squeeze %dma_start3A_317 : memref<1x200x128xf32, #tpu.memory_space<hbm>> -> memref<200x128xf32, #tpu.memory_space<hbm>>
      %dma_start3A_319 = arith.constant 0 : i32
      %dma_start3A_320 = arith.constant 0 : i32
      %dma_start3A_321 = tpu.memref_slice %arg3[%add3A_306, %dma_start3A_319, %dma_start3A_320] : memref<4096x200x128xf32, #tpu.memory_space<hbm>> -> memref<1x200x128xf32, #tpu.memory_space<hbm>>
      %dma_start3A_322 = tpu.memref_squeeze %dma_start3A_321 : memref<1x200x128xf32, #tpu.memory_space<hbm>> -> memref<200x128xf32, #tpu.memory_space<hbm>>
      tpu.enqueue_dma source(%arg4 : memref<200x128xf32, #tpu.memory_space<vmem>>) target(%dma_start3A_322 : memref<200x128xf32, #tpu.memory_space<hbm>>) target_semaphore(%arg5 : memref<!tpu.dma_semaphore, #tpu.memory_space<semaphore_mem>>)
      %mul3A_323 = arith.constant 16 : i32
      %mul3A_324 = arith.muli %scan3A_8, %mul3A_323 : i32
      %add3A_325 = arith.addi %mul3A_2, %mul3A_324 : i32
      %add3A_326 = arith.constant 15 : i32
      %add3A_327 = arith.addi %add3A_325, %add3A_326 : i32
      %dma_start3A_328 = arith.constant 0 : i32
      %dma_start3A_329 = arith.constant 0 : i32
      %dma_start3A_330 = tpu.memref_slice %arg3[%add3A_327, %dma_start3A_328, %dma_start3A_329] : memref<4096x200x128xf32, #tpu.memory_space<hbm>> -> memref<1x200x128xf32, #tpu.memory_space<hbm>>
      %dma_start3A_331 = tpu.memref_squeeze %dma_start3A_330 : memref<1x200x128xf32, #tpu.memory_space<hbm>> -> memref<200x128xf32, #tpu.memory_space<hbm>>
      %dma_start3A_332 = arith.constant 0 : i32
      %dma_start3A_333 = arith.constant 0 : i32
      %dma_start3A_334 = tpu.memref_slice %arg3[%add3A_327, %dma_start3A_332, %dma_start3A_333] : memref<4096x200x128xf32, #tpu.memory_space<hbm>> -> memref<1x200x128xf32, #tpu.memory_space<hbm>>
      %dma_start3A_335 = tpu.memref_squeeze %dma_start3A_334 : memref<1x200x128xf32, #tpu.memory_space<hbm>> -> memref<200x128xf32, #tpu.memory_space<hbm>>
      tpu.enqueue_dma source(%arg4 : memref<200x128xf32, #tpu.memory_space<vmem>>) target(%dma_start3A_335 : memref<200x128xf32, #tpu.memory_space<hbm>>) target_semaphore(%arg5 : memref<!tpu.dma_semaphore, #tpu.memory_space<semaphore_mem>>)
      %dma_start3A_336 = arith.constant 0 : i32
      %dma_start3A_337 = arith.constant 0 : i32
      %dma_start3A_338 = tpu.memref_slice %arg3[%add3A_327, %dma_start3A_336, %dma_start3A_337] : memref<4096x200x128xf32, #tpu.memory_space<hbm>> -> memref<1x200x128xf32, #tpu.memory_space<hbm>>
      %dma_start3A_339 = tpu.memref_squeeze %dma_start3A_338 : memref<1x200x128xf32, #tpu.memory_space<hbm>> -> memref<200x128xf32, #tpu.memory_space<hbm>>
      %dma_start3A_340 = arith.constant 0 : i32
      %dma_start3A_341 = arith.constant 0 : i32
      %dma_start3A_342 = tpu.memref_slice %arg3[%add3A_327, %dma_start3A_340, %dma_start3A_341] : memref<4096x200x128xf32, #tpu.memory_space<hbm>> -> memref<1x200x128xf32, #tpu.memory_space<hbm>>
      %dma_start3A_343 = tpu.memref_squeeze %dma_start3A_342 : memref<1x200x128xf32, #tpu.memory_space<hbm>> -> memref<200x128xf32, #tpu.memory_space<hbm>>
      tpu.enqueue_dma source(%arg4 : memref<200x128xf32, #tpu.memory_space<vmem>>) target(%dma_start3A_343 : memref<200x128xf32, #tpu.memory_space<hbm>>) target_semaphore(%arg5 : memref<!tpu.dma_semaphore, #tpu.memory_space<semaphore_mem>>)
      %mul3A_344 = arith.constant 16 : i32
      %mul3A_345 = arith.muli %scan3A_8, %mul3A_344 : i32
      %add3A_346 = arith.addi %mul3A_2, %mul3A_345 : i32
      %add3A_347 = arith.constant 0 : i32
      %add3A_348 = arith.addi %add3A_346, %add3A_347 : i32
      %dma_wait3A = arith.constant 0 : i32
      %dma_wait3A_349 = arith.constant 0 : i32
      %dma_wait3A_350 = tpu.memref_slice %arg3[%add3A_348, %dma_wait3A, %dma_wait3A_349] : memref<4096x200x128xf32, #tpu.memory_space<hbm>> -> memref<1x200x128xf32, #tpu.memory_space<hbm>>
      %dma_wait3A_351 = tpu.memref_squeeze %dma_wait3A_350 : memref<1x200x128xf32, #tpu.memory_space<hbm>> -> memref<200x128xf32, #tpu.memory_space<hbm>>
      %dma_wait3A_352 = arith.constant 0 : i32
      %dma_wait3A_353 = arith.constant 0 : i32
      %dma_wait3A_354 = tpu.memref_slice %arg3[%add3A_348, %dma_wait3A_352, %dma_wait3A_353] : memref<4096x200x128xf32, #tpu.memory_space<hbm>> -> memref<1x200x128xf32, #tpu.memory_space<hbm>>
      %dma_wait3A_355 = tpu.memref_squeeze %dma_wait3A_354 : memref<1x200x128xf32, #tpu.memory_space<hbm>> -> memref<200x128xf32, #tpu.memory_space<hbm>>
      tpu.wait_dma2 semaphore(%arg5 : memref<!tpu.dma_semaphore, #tpu.memory_space<semaphore_mem>>) src(%arg4 : memref<200x128xf32, #tpu.memory_space<vmem>>) dst(%dma_wait3A_355 : memref<200x128xf32, #tpu.memory_space<hbm>>)
      %mul3A_356 = arith.constant 16 : i32
      %mul3A_357 = arith.muli %scan3A_8, %mul3A_356 : i32
      %add3A_358 = arith.addi %mul3A_2, %mul3A_357 : i32
      %add3A_359 = arith.constant 1 : i32
      %add3A_360 = arith.addi %add3A_358, %add3A_359 : i32
      %dma_wait3A_361 = arith.constant 0 : i32
      %dma_wait3A_362 = arith.constant 0 : i32
      %dma_wait3A_363 = tpu.memref_slice %arg3[%add3A_360, %dma_wait3A_361, %dma_wait3A_362] : memref<4096x200x128xf32, #tpu.memory_space<hbm>> -> memref<1x200x128xf32, #tpu.memory_space<hbm>>
      %dma_wait3A_364 = tpu.memref_squeeze %dma_wait3A_363 : memref<1x200x128xf32, #tpu.memory_space<hbm>> -> memref<200x128xf32, #tpu.memory_space<hbm>>
      %dma_wait3A_365 = arith.constant 0 : i32
      %dma_wait3A_366 = arith.constant 0 : i32
      %dma_wait3A_367 = tpu.memref_slice %arg3[%add3A_360, %dma_wait3A_365, %dma_wait3A_366] : memref<4096x200x128xf32, #tpu.memory_space<hbm>> -> memref<1x200x128xf32, #tpu.memory_space<hbm>>
      %dma_wait3A_368 = tpu.memref_squeeze %dma_wait3A_367 : memref<1x200x128xf32, #tpu.memory_space<hbm>> -> memref<200x128xf32, #tpu.memory_space<hbm>>
      tpu.wait_dma2 semaphore(%arg5 : memref<!tpu.dma_semaphore, #tpu.memory_space<semaphore_mem>>) src(%arg4 : memref<200x128xf32, #tpu.memory_space<vmem>>) dst(%dma_wait3A_368 : memref<200x128xf32, #tpu.memory_space<hbm>>)
      %mul3A_369 = arith.constant 16 : i32
      %mul3A_370 = arith.muli %scan3A_8, %mul3A_369 : i32
      %add3A_371 = arith.addi %mul3A_2, %mul3A_370 : i32
      %add3A_372 = arith.constant 2 : i32
      %add3A_373 = arith.addi %add3A_371, %add3A_372 : i32
      %dma_wait3A_374 = arith.constant 0 : i32
      %dma_wait3A_375 = arith.constant 0 : i32
      %dma_wait3A_376 = tpu.memref_slice %arg3[%add3A_373, %dma_wait3A_374, %dma_wait3A_375] : memref<4096x200x128xf32, #tpu.memory_space<hbm>> -> memref<1x200x128xf32, #tpu.memory_space<hbm>>
      %dma_wait3A_377 = tpu.memref_squeeze %dma_wait3A_376 : memref<1x200x128xf32, #tpu.memory_space<hbm>> -> memref<200x128xf32, #tpu.memory_space<hbm>>
      %dma_wait3A_378 = arith.constant 0 : i32
      %dma_wait3A_379 = arith.constant 0 : i32
      %dma_wait3A_380 = tpu.memref_slice %arg3[%add3A_373, %dma_wait3A_378, %dma_wait3A_379] : memref<4096x200x128xf32, #tpu.memory_space<hbm>> -> memref<1x200x128xf32, #tpu.memory_space<hbm>>
      %dma_wait3A_381 = tpu.memref_squeeze %dma_wait3A_380 : memref<1x200x128xf32, #tpu.memory_space<hbm>> -> memref<200x128xf32, #tpu.memory_space<hbm>>
      tpu.wait_dma2 semaphore(%arg5 : memref<!tpu.dma_semaphore, #tpu.memory_space<semaphore_mem>>) src(%arg4 : memref<200x128xf32, #tpu.memory_space<vmem>>) dst(%dma_wait3A_381 : memref<200x128xf32, #tpu.memory_space<hbm>>)
      %mul3A_382 = arith.constant 16 : i32
      %mul3A_383 = arith.muli %scan3A_8, %mul3A_382 : i32
      %add3A_384 = arith.addi %mul3A_2, %mul3A_383 : i32
      %add3A_385 = arith.constant 3 : i32
      %add3A_386 = arith.addi %add3A_384, %add3A_385 : i32
      %dma_wait3A_387 = arith.constant 0 : i32
      %dma_wait3A_388 = arith.constant 0 : i32
      %dma_wait3A_389 = tpu.memref_slice %arg3[%add3A_386, %dma_wait3A_387, %dma_wait3A_388] : memref<4096x200x128xf32, #tpu.memory_space<hbm>> -> memref<1x200x128xf32, #tpu.memory_space<hbm>>
      %dma_wait3A_390 = tpu.memref_squeeze %dma_wait3A_389 : memref<1x200x128xf32, #tpu.memory_space<hbm>> -> memref<200x128xf32, #tpu.memory_space<hbm>>
      %dma_wait3A_391 = arith.constant 0 : i32
      %dma_wait3A_392 = arith.constant 0 : i32
      %dma_wait3A_393 = tpu.memref_slice %arg3[%add3A_386, %dma_wait3A_391, %dma_wait3A_392] : memref<4096x200x128xf32, #tpu.memory_space<hbm>> -> memref<1x200x128xf32, #tpu.memory_space<hbm>>
      %dma_wait3A_394 = tpu.memref_squeeze %dma_wait3A_393 : memref<1x200x128xf32, #tpu.memory_space<hbm>> -> memref<200x128xf32, #tpu.memory_space<hbm>>
      tpu.wait_dma2 semaphore(%arg5 : memref<!tpu.dma_semaphore, #tpu.memory_space<semaphore_mem>>) src(%arg4 : memref<200x128xf32, #tpu.memory_space<vmem>>) dst(%dma_wait3A_394 : memref<200x128xf32, #tpu.memory_space<hbm>>)
      %mul3A_395 = arith.constant 16 : i32
      %mul3A_396 = arith.muli %scan3A_8, %mul3A_395 : i32
      %add3A_397 = arith.addi %mul3A_2, %mul3A_396 : i32
      %add3A_398 = arith.constant 4 : i32
      %add3A_399 = arith.addi %add3A_397, %add3A_398 : i32
      %dma_wait3A_400 = arith.constant 0 : i32
      %dma_wait3A_401 = arith.constant 0 : i32
      %dma_wait3A_402 = tpu.memref_slice %arg3[%add3A_399, %dma_wait3A_400, %dma_wait3A_401] : memref<4096x200x128xf32, #tpu.memory_space<hbm>> -> memref<1x200x128xf32, #tpu.memory_space<hbm>>
      %dma_wait3A_403 = tpu.memref_squeeze %dma_wait3A_402 : memref<1x200x128xf32, #tpu.memory_space<hbm>> -> memref<200x128xf32, #tpu.memory_space<hbm>>
      %dma_wait3A_404 = arith.constant 0 : i32
      %dma_wait3A_405 = arith.constant 0 : i32
      %dma_wait3A_406 = tpu.memref_slice %arg3[%add3A_399, %dma_wait3A_404, %dma_wait3A_405] : memref<4096x200x128xf32, #tpu.memory_space<hbm>> -> memref<1x200x128xf32, #tpu.memory_space<hbm>>
      %dma_wait3A_407 = tpu.memref_squeeze %dma_wait3A_406 : memref<1x200x128xf32, #tpu.memory_space<hbm>> -> memref<200x128xf32, #tpu.memory_space<hbm>>
      tpu.wait_dma2 semaphore(%arg5 : memref<!tpu.dma_semaphore, #tpu.memory_space<semaphore_mem>>) src(%arg4 : memref<200x128xf32, #tpu.memory_space<vmem>>) dst(%dma_wait3A_407 : memref<200x128xf32, #tpu.memory_space<hbm>>)
      %mul3A_408 = arith.constant 16 : i32
      %mul3A_409 = arith.muli %scan3A_8, %mul3A_408 : i32
      %add3A_410 = arith.addi %mul3A_2, %mul3A_409 : i32
      %add3A_411 = arith.constant 5 : i32
      %add3A_412 = arith.addi %add3A_410, %add3A_411 : i32
      %dma_wait3A_413 = arith.constant 0 : i32
      %dma_wait3A_414 = arith.constant 0 : i32
      %dma_wait3A_415 = tpu.memref_slice %arg3[%add3A_412, %dma_wait3A_413, %dma_wait3A_414] : memref<4096x200x128xf32, #tpu.memory_space<hbm>> -> memref<1x200x128xf32, #tpu.memory_space<hbm>>
      %dma_wait3A_416 = tpu.memref_squeeze %dma_wait3A_415 : memref<1x200x128xf32, #tpu.memory_space<hbm>> -> memref<200x128xf32, #tpu.memory_space<hbm>>
      %dma_wait3A_417 = arith.constant 0 : i32
      %dma_wait3A_418 = arith.constant 0 : i32
      %dma_wait3A_419 = tpu.memref_slice %arg3[%add3A_412, %dma_wait3A_417, %dma_wait3A_418] : memref<4096x200x128xf32, #tpu.memory_space<hbm>> -> memref<1x200x128xf32, #tpu.memory_space<hbm>>
      %dma_wait3A_420 = tpu.memref_squeeze %dma_wait3A_419 : memref<1x200x128xf32, #tpu.memory_space<hbm>> -> memref<200x128xf32, #tpu.memory_space<hbm>>
      tpu.wait_dma2 semaphore(%arg5 : memref<!tpu.dma_semaphore, #tpu.memory_space<semaphore_mem>>) src(%arg4 : memref<200x128xf32, #tpu.memory_space<vmem>>) dst(%dma_wait3A_420 : memref<200x128xf32, #tpu.memory_space<hbm>>)
      %mul3A_421 = arith.constant 16 : i32
      %mul3A_422 = arith.muli %scan3A_8, %mul3A_421 : i32
      %add3A_423 = arith.addi %mul3A_2, %mul3A_422 : i32
      %add3A_424 = arith.constant 6 : i32
      %add3A_425 = arith.addi %add3A_423, %add3A_424 : i32
      %dma_wait3A_426 = arith.constant 0 : i32
      %dma_wait3A_427 = arith.constant 0 : i32
      %dma_wait3A_428 = tpu.memref_slice %arg3[%add3A_425, %dma_wait3A_426, %dma_wait3A_427] : memref<4096x200x128xf32, #tpu.memory_space<hbm>> -> memref<1x200x128xf32, #tpu.memory_space<hbm>>
      %dma_wait3A_429 = tpu.memref_squeeze %dma_wait3A_428 : memref<1x200x128xf32, #tpu.memory_space<hbm>> -> memref<200x128xf32, #tpu.memory_space<hbm>>
      %dma_wait3A_430 = arith.constant 0 : i32
      %dma_wait3A_431 = arith.constant 0 : i32
      %dma_wait3A_432 = tpu.memref_slice %arg3[%add3A_425, %dma_wait3A_430, %dma_wait3A_431] : memref<4096x200x128xf32, #tpu.memory_space<hbm>> -> memref<1x200x128xf32, #tpu.memory_space<hbm>>
      %dma_wait3A_433 = tpu.memref_squeeze %dma_wait3A_432 : memref<1x200x128xf32, #tpu.memory_space<hbm>> -> memref<200x128xf32, #tpu.memory_space<hbm>>
      tpu.wait_dma2 semaphore(%arg5 : memref<!tpu.dma_semaphore, #tpu.memory_space<semaphore_mem>>) src(%arg4 : memref<200x128xf32, #tpu.memory_space<vmem>>) dst(%dma_wait3A_433 : memref<200x128xf32, #tpu.memory_space<hbm>>)
      %mul3A_434 = arith.constant 16 : i32
      %mul3A_435 = arith.muli %scan3A_8, %mul3A_434 : i32
      %add3A_436 = arith.addi %mul3A_2, %mul3A_435 : i32
      %add3A_437 = arith.constant 7 : i32
      %add3A_438 = arith.addi %add3A_436, %add3A_437 : i32
      %dma_wait3A_439 = arith.constant 0 : i32
      %dma_wait3A_440 = arith.constant 0 : i32
      %dma_wait3A_441 = tpu.memref_slice %arg3[%add3A_438, %dma_wait3A_439, %dma_wait3A_440] : memref<4096x200x128xf32, #tpu.memory_space<hbm>> -> memref<1x200x128xf32, #tpu.memory_space<hbm>>
      %dma_wait3A_442 = tpu.memref_squeeze %dma_wait3A_441 : memref<1x200x128xf32, #tpu.memory_space<hbm>> -> memref<200x128xf32, #tpu.memory_space<hbm>>
      %dma_wait3A_443 = arith.constant 0 : i32
      %dma_wait3A_444 = arith.constant 0 : i32
      %dma_wait3A_445 = tpu.memref_slice %arg3[%add3A_438, %dma_wait3A_443, %dma_wait3A_444] : memref<4096x200x128xf32, #tpu.memory_space<hbm>> -> memref<1x200x128xf32, #tpu.memory_space<hbm>>
      %dma_wait3A_446 = tpu.memref_squeeze %dma_wait3A_445 : memref<1x200x128xf32, #tpu.memory_space<hbm>> -> memref<200x128xf32, #tpu.memory_space<hbm>>
      tpu.wait_dma2 semaphore(%arg5 : memref<!tpu.dma_semaphore, #tpu.memory_space<semaphore_mem>>) src(%arg4 : memref<200x128xf32, #tpu.memory_space<vmem>>) dst(%dma_wait3A_446 : memref<200x128xf32, #tpu.memory_space<hbm>>)
      %mul3A_447 = arith.constant 16 : i32
      %mul3A_448 = arith.muli %scan3A_8, %mul3A_447 : i32
      %add3A_449 = arith.addi %mul3A_2, %mul3A_448 : i32
      %add3A_450 = arith.constant 8 : i32
      %add3A_451 = arith.addi %add3A_449, %add3A_450 : i32
      %dma_wait3A_452 = arith.constant 0 : i32
      %dma_wait3A_453 = arith.constant 0 : i32
      %dma_wait3A_454 = tpu.memref_slice %arg3[%add3A_451, %dma_wait3A_452, %dma_wait3A_453] : memref<4096x200x128xf32, #tpu.memory_space<hbm>> -> memref<1x200x128xf32, #tpu.memory_space<hbm>>
      %dma_wait3A_455 = tpu.memref_squeeze %dma_wait3A_454 : memref<1x200x128xf32, #tpu.memory_space<hbm>> -> memref<200x128xf32, #tpu.memory_space<hbm>>
      %dma_wait3A_456 = arith.constant 0 : i32
      %dma_wait3A_457 = arith.constant 0 : i32
      %dma_wait3A_458 = tpu.memref_slice %arg3[%add3A_451, %dma_wait3A_456, %dma_wait3A_457] : memref<4096x200x128xf32, #tpu.memory_space<hbm>> -> memref<1x200x128xf32, #tpu.memory_space<hbm>>
      %dma_wait3A_459 = tpu.memref_squeeze %dma_wait3A_458 : memref<1x200x128xf32, #tpu.memory_space<hbm>> -> memref<200x128xf32, #tpu.memory_space<hbm>>
      tpu.wait_dma2 semaphore(%arg5 : memref<!tpu.dma_semaphore, #tpu.memory_space<semaphore_mem>>) src(%arg4 : memref<200x128xf32, #tpu.memory_space<vmem>>) dst(%dma_wait3A_459 : memref<200x128xf32, #tpu.memory_space<hbm>>)
      %mul3A_460 = arith.constant 16 : i32
      %mul3A_461 = arith.muli %scan3A_8, %mul3A_460 : i32
      %add3A_462 = arith.addi %mul3A_2, %mul3A_461 : i32
      %add3A_463 = arith.constant 9 : i32
      %add3A_464 = arith.addi %add3A_462, %add3A_463 : i32
      %dma_wait3A_465 = arith.constant 0 : i32
      %dma_wait3A_466 = arith.constant 0 : i32
      %dma_wait3A_467 = tpu.memref_slice %arg3[%add3A_464, %dma_wait3A_465, %dma_wait3A_466] : memref<4096x200x128xf32, #tpu.memory_space<hbm>> -> memref<1x200x128xf32, #tpu.memory_space<hbm>>
      %dma_wait3A_468 = tpu.memref_squeeze %dma_wait3A_467 : memref<1x200x128xf32, #tpu.memory_space<hbm>> -> memref<200x128xf32, #tpu.memory_space<hbm>>
      %dma_wait3A_469 = arith.constant 0 : i32
      %dma_wait3A_470 = arith.constant 0 : i32
      %dma_wait3A_471 = tpu.memref_slice %arg3[%add3A_464, %dma_wait3A_469, %dma_wait3A_470] : memref<4096x200x128xf32, #tpu.memory_space<hbm>> -> memref<1x200x128xf32, #tpu.memory_space<hbm>>
      %dma_wait3A_472 = tpu.memref_squeeze %dma_wait3A_471 : memref<1x200x128xf32, #tpu.memory_space<hbm>> -> memref<200x128xf32, #tpu.memory_space<hbm>>
      tpu.wait_dma2 semaphore(%arg5 : memref<!tpu.dma_semaphore, #tpu.memory_space<semaphore_mem>>) src(%arg4 : memref<200x128xf32, #tpu.memory_space<vmem>>) dst(%dma_wait3A_472 : memref<200x128xf32, #tpu.memory_space<hbm>>)
      %mul3A_473 = arith.constant 16 : i32
      %mul3A_474 = arith.muli %scan3A_8, %mul3A_473 : i32
      %add3A_475 = arith.addi %mul3A_2, %mul3A_474 : i32
      %add3A_476 = arith.constant 10 : i32
      %add3A_477 = arith.addi %add3A_475, %add3A_476 : i32
      %dma_wait3A_478 = arith.constant 0 : i32
      %dma_wait3A_479 = arith.constant 0 : i32
      %dma_wait3A_480 = tpu.memref_slice %arg3[%add3A_477, %dma_wait3A_478, %dma_wait3A_479] : memref<4096x200x128xf32, #tpu.memory_space<hbm>> -> memref<1x200x128xf32, #tpu.memory_space<hbm>>
      %dma_wait3A_481 = tpu.memref_squeeze %dma_wait3A_480 : memref<1x200x128xf32, #tpu.memory_space<hbm>> -> memref<200x128xf32, #tpu.memory_space<hbm>>
      %dma_wait3A_482 = arith.constant 0 : i32
      %dma_wait3A_483 = arith.constant 0 : i32
      %dma_wait3A_484 = tpu.memref_slice %arg3[%add3A_477, %dma_wait3A_482, %dma_wait3A_483] : memref<4096x200x128xf32, #tpu.memory_space<hbm>> -> memref<1x200x128xf32, #tpu.memory_space<hbm>>
      %dma_wait3A_485 = tpu.memref_squeeze %dma_wait3A_484 : memref<1x200x128xf32, #tpu.memory_space<hbm>> -> memref<200x128xf32, #tpu.memory_space<hbm>>
      tpu.wait_dma2 semaphore(%arg5 : memref<!tpu.dma_semaphore, #tpu.memory_space<semaphore_mem>>) src(%arg4 : memref<200x128xf32, #tpu.memory_space<vmem>>) dst(%dma_wait3A_485 : memref<200x128xf32, #tpu.memory_space<hbm>>)
      %mul3A_486 = arith.constant 16 : i32
      %mul3A_487 = arith.muli %scan3A_8, %mul3A_486 : i32
      %add3A_488 = arith.addi %mul3A_2, %mul3A_487 : i32
      %add3A_489 = arith.constant 11 : i32
      %add3A_490 = arith.addi %add3A_488, %add3A_489 : i32
      %dma_wait3A_491 = arith.constant 0 : i32
      %dma_wait3A_492 = arith.constant 0 : i32
      %dma_wait3A_493 = tpu.memref_slice %arg3[%add3A_490, %dma_wait3A_491, %dma_wait3A_492] : memref<4096x200x128xf32, #tpu.memory_space<hbm>> -> memref<1x200x128xf32, #tpu.memory_space<hbm>>
      %dma_wait3A_494 = tpu.memref_squeeze %dma_wait3A_493 : memref<1x200x128xf32, #tpu.memory_space<hbm>> -> memref<200x128xf32, #tpu.memory_space<hbm>>
      %dma_wait3A_495 = arith.constant 0 : i32
      %dma_wait3A_496 = arith.constant 0 : i32
      %dma_wait3A_497 = tpu.memref_slice %arg3[%add3A_490, %dma_wait3A_495, %dma_wait3A_496] : memref<4096x200x128xf32, #tpu.memory_space<hbm>> -> memref<1x200x128xf32, #tpu.memory_space<hbm>>
      %dma_wait3A_498 = tpu.memref_squeeze %dma_wait3A_497 : memref<1x200x128xf32, #tpu.memory_space<hbm>> -> memref<200x128xf32, #tpu.memory_space<hbm>>
      tpu.wait_dma2 semaphore(%arg5 : memref<!tpu.dma_semaphore, #tpu.memory_space<semaphore_mem>>) src(%arg4 : memref<200x128xf32, #tpu.memory_space<vmem>>) dst(%dma_wait3A_498 : memref<200x128xf32, #tpu.memory_space<hbm>>)
      %mul3A_499 = arith.constant 16 : i32
      %mul3A_500 = arith.muli %scan3A_8, %mul3A_499 : i32
      %add3A_501 = arith.addi %mul3A_2, %mul3A_500 : i32
      %add3A_502 = arith.constant 12 : i32
      %add3A_503 = arith.addi %add3A_501, %add3A_502 : i32
      %dma_wait3A_504 = arith.constant 0 : i32
      %dma_wait3A_505 = arith.constant 0 : i32
      %dma_wait3A_506 = tpu.memref_slice %arg3[%add3A_503, %dma_wait3A_504, %dma_wait3A_505] : memref<4096x200x128xf32, #tpu.memory_space<hbm>> -> memref<1x200x128xf32, #tpu.memory_space<hbm>>
      %dma_wait3A_507 = tpu.memref_squeeze %dma_wait3A_506 : memref<1x200x128xf32, #tpu.memory_space<hbm>> -> memref<200x128xf32, #tpu.memory_space<hbm>>
      %dma_wait3A_508 = arith.constant 0 : i32
      %dma_wait3A_509 = arith.constant 0 : i32
      %dma_wait3A_510 = tpu.memref_slice %arg3[%add3A_503, %dma_wait3A_508, %dma_wait3A_509] : memref<4096x200x128xf32, #tpu.memory_space<hbm>> -> memref<1x200x128xf32, #tpu.memory_space<hbm>>
      %dma_wait3A_511 = tpu.memref_squeeze %dma_wait3A_510 : memref<1x200x128xf32, #tpu.memory_space<hbm>> -> memref<200x128xf32, #tpu.memory_space<hbm>>
      tpu.wait_dma2 semaphore(%arg5 : memref<!tpu.dma_semaphore, #tpu.memory_space<semaphore_mem>>) src(%arg4 : memref<200x128xf32, #tpu.memory_space<vmem>>) dst(%dma_wait3A_511 : memref<200x128xf32, #tpu.memory_space<hbm>>)
      %mul3A_512 = arith.constant 16 : i32
      %mul3A_513 = arith.muli %scan3A_8, %mul3A_512 : i32
      %add3A_514 = arith.addi %mul3A_2, %mul3A_513 : i32
      %add3A_515 = arith.constant 13 : i32
      %add3A_516 = arith.addi %add3A_514, %add3A_515 : i32
      %dma_wait3A_517 = arith.constant 0 : i32
      %dma_wait3A_518 = arith.constant 0 : i32
      %dma_wait3A_519 = tpu.memref_slice %arg3[%add3A_516, %dma_wait3A_517, %dma_wait3A_518] : memref<4096x200x128xf32, #tpu.memory_space<hbm>> -> memref<1x200x128xf32, #tpu.memory_space<hbm>>
      %dma_wait3A_520 = tpu.memref_squeeze %dma_wait3A_519 : memref<1x200x128xf32, #tpu.memory_space<hbm>> -> memref<200x128xf32, #tpu.memory_space<hbm>>
      %dma_wait3A_521 = arith.constant 0 : i32
      %dma_wait3A_522 = arith.constant 0 : i32
      %dma_wait3A_523 = tpu.memref_slice %arg3[%add3A_516, %dma_wait3A_521, %dma_wait3A_522] : memref<4096x200x128xf32, #tpu.memory_space<hbm>> -> memref<1x200x128xf32, #tpu.memory_space<hbm>>
      %dma_wait3A_524 = tpu.memref_squeeze %dma_wait3A_523 : memref<1x200x128xf32, #tpu.memory_space<hbm>> -> memref<200x128xf32, #tpu.memory_space<hbm>>
      tpu.wait_dma2 semaphore(%arg5 : memref<!tpu.dma_semaphore, #tpu.memory_space<semaphore_mem>>) src(%arg4 : memref<200x128xf32, #tpu.memory_space<vmem>>) dst(%dma_wait3A_524 : memref<200x128xf32, #tpu.memory_space<hbm>>)
      %mul3A_525 = arith.constant 16 : i32
      %mul3A_526 = arith.muli %scan3A_8, %mul3A_525 : i32
      %add3A_527 = arith.addi %mul3A_2, %mul3A_526 : i32
      %add3A_528 = arith.constant 14 : i32
      %add3A_529 = arith.addi %add3A_527, %add3A_528 : i32
      %dma_wait3A_530 = arith.constant 0 : i32
      %dma_wait3A_531 = arith.constant 0 : i32
      %dma_wait3A_532 = tpu.memref_slice %arg3[%add3A_529, %dma_wait3A_530, %dma_wait3A_531] : memref<4096x200x128xf32, #tpu.memory_space<hbm>> -> memref<1x200x128xf32, #tpu.memory_space<hbm>>
      %dma_wait3A_533 = tpu.memref_squeeze %dma_wait3A_532 : memref<1x200x128xf32, #tpu.memory_space<hbm>> -> memref<200x128xf32, #tpu.memory_space<hbm>>
      %dma_wait3A_534 = arith.constant 0 : i32
      %dma_wait3A_535 = arith.constant 0 : i32
      %dma_wait3A_536 = tpu.memref_slice %arg3[%add3A_529, %dma_wait3A_534, %dma_wait3A_535] : memref<4096x200x128xf32, #tpu.memory_space<hbm>> -> memref<1x200x128xf32, #tpu.memory_space<hbm>>
      %dma_wait3A_537 = tpu.memref_squeeze %dma_wait3A_536 : memref<1x200x128xf32, #tpu.memory_space<hbm>> -> memref<200x128xf32, #tpu.memory_space<hbm>>
      tpu.wait_dma2 semaphore(%arg5 : memref<!tpu.dma_semaphore, #tpu.memory_space<semaphore_mem>>) src(%arg4 : memref<200x128xf32, #tpu.memory_space<vmem>>) dst(%dma_wait3A_537 : memref<200x128xf32, #tpu.memory_space<hbm>>)
      %mul3A_538 = arith.constant 16 : i32
      %mul3A_539 = arith.muli %scan3A_8, %mul3A_538 : i32
      %add3A_540 = arith.addi %mul3A_2, %mul3A_539 : i32
      %add3A_541 = arith.constant 15 : i32
      %add3A_542 = arith.addi %add3A_540, %add3A_541 : i32
      %dma_wait3A_543 = arith.constant 0 : i32
      %dma_wait3A_544 = arith.constant 0 : i32
      %dma_wait3A_545 = tpu.memref_slice %arg3[%add3A_542, %dma_wait3A_543, %dma_wait3A_544] : memref<4096x200x128xf32, #tpu.memory_space<hbm>> -> memref<1x200x128xf32, #tpu.memory_space<hbm>>
      %dma_wait3A_546 = tpu.memref_squeeze %dma_wait3A_545 : memref<1x200x128xf32, #tpu.memory_space<hbm>> -> memref<200x128xf32, #tpu.memory_space<hbm>>
      %dma_wait3A_547 = arith.constant 0 : i32
      %dma_wait3A_548 = arith.constant 0 : i32
      %dma_wait3A_549 = tpu.memref_slice %arg3[%add3A_542, %dma_wait3A_547, %dma_wait3A_548] : memref<4096x200x128xf32, #tpu.memory_space<hbm>> -> memref<1x200x128xf32, #tpu.memory_space<hbm>>
      %dma_wait3A_550 = tpu.memref_squeeze %dma_wait3A_549 : memref<1x200x128xf32, #tpu.memory_space<hbm>> -> memref<200x128xf32, #tpu.memory_space<hbm>>
      tpu.wait_dma2 semaphore(%arg5 : memref<!tpu.dma_semaphore, #tpu.memory_space<semaphore_mem>>) src(%arg4 : memref<200x128xf32, #tpu.memory_space<vmem>>) dst(%dma_wait3A_550 : memref<200x128xf32, #tpu.memory_space<hbm>>)
    }
    %scan3A_7 = arith.constant 8 : i32
    return
  }
}

</mosaic_0001>

<sc_bundles>
// kernel: kernel.3.cloned.1.call-start
scs
__scs_entry_jumppad:
0x0: {  	(pc) =	sbr.rel $0x88, $3  }
0x1: {  	(tag) =	ssettag $0x0;
	lr =	simm.s32 $0x1  }
0x2: {  	[smem:$0x3FA0] =	sst lr;
	_ =	strace $0xD0000000  }
0x3: {  	_ = 	snop  }
0x4: {  	_ = 	snop  }
0x5: {  	_ = 	snop  }
0x6: {  	_ = 	snop  }
0x7: {  	_ = 	snop  }
__scs_overlays_trampoline_lowered:
0x8: {  	[smem:$0x3FAF] =	sst s0  }
0x9: {  	[smem:$0x3FB0] =	sst s1  }
0xa: {  	[smem:$0x3FB1] =	sst s2  }
0xb: {  	[smem:$0x3FB2] =	sst s3  }
0xc: {  	[smem:$0x3FB3] =	sst s4  }
0xd: {  	[smem:$0x3FB4] =	sst s5  }
0xe: {  	[smem:$0x3FB5] =	sst s6  }
0xf: {  	[smem:$0x3FB6] =	sst s7  }
0x10: {  	[smem:$0x3FB7] =	sst s8  }
0x11: {  	[smem:$0x3FB8] =	sst s9;
	s0 =	simm.s32 @!p0 $0x0  }
0x12: {  	s1 =	sld [smem:$0x3F9E];
	s0 =	simm.s32 @p0 $0x1  }
0x13: {  	[smem:$0x3FB9] =	sst s0;
	s0 =	simm.s32 @!p1 $0x0  }
0x14: {  	s2 =	sld [smem:$0x3F9D];
	s0 =	simm.s32 @p1 $0x1  }
0x15: {  	[smem:$0x3FBA] =	sst s0;
	s0 =	simm.s32 @!p2 $0x0  }
0x16: {  	s3 =	sld [smem:$0x3FDB];
	s0 =	simm.s32 @p2 $0x1  }
0x17: {  	s4 =	simm.s32 $0x1BF5;
	[smem:$0x3FBC] =	sst s0  }
0x18: {  	s0 =	sld [smem:$0x3F9F];
	_ =	swait.ge [sflag:s4], $0x0  }
0x19: {  	s7 =	sld [smem:$0x3FA0]  }
0x1a: {  	s8 =	sadd.s32 $0xFFFFE003, lr  }
0x1b: {  	s9 =	sadd.s32 $0xFFFFFEF7, lr;
	s5 =	simm.s32 $0xFFFFFFFF;
	p2 =	slt.u32 s8, $0xFFFFF086  }
0x1c: {  	p1 =	slt.u32 s9, $0xF7A;
	s5 =	simm.s32 @!p2 $0x0  }
0x1d: {  	s5 =	simm.s32 @p1 $0x1;
	p0 =	seq.s32 s7, s2  }
0x1e: {  	s7 =	smul.u32 @!p0 $0xF7A, s2;
	p2 =	seq.s32 @!p0 s5, $0x0  }
0x1f: {  	s9 =	smul.u32 $0xF7A, s1;
	s8 =	simm.s32 @!p0 $0x1BF5;
	p2 =	por !p2, p0  }
0x20: {  	[sflag:s8] =	ssyncset.s32 @!p0 $0xFFFFF086;
	s6 =	sadd.s32 @!p0 s3, s7;
	s7 =	simm.s32 @!p0 $0x108  }
0x21: {  	s3 =	sadd.s32 s3, s9;
	s6 =	sadd.s32 @!p0 $0x88, s6;
	s7 =	simm.s32 @p2 $0x1082  }
0x22: {  	[simem:s7], [sflag:s8] =	dma.local @!p0 [hbm:s6], $0xF7A  }
0x23: {  	s9 =	sor.u32 $0xD0000000, s2;
	s6 =	simm.s32 $0x108;
	_ =	swait.ge @!p0 [sflag:s8], $0x0  }
0x24: {  	s3 =	sadd.s32 $0x88, s3;
	s6 =	simm.s32 @!p1 $0x1082;
	[sflag:s4] =	ssyncset.s32 $0xFFFFF086  }
0x25: {  	[simem:s6], [sflag:s4] =	dma.local [hbm:s3], $0xF7A  }
0x26: {  	[smem:$0x3FA0] =	sst s1;
	(tag) =	ssettag s2;
	_ =	strace s9  }
0x27: {  	s1 =	sld [smem:$0x3FB0]  }
0x28: {  	s2 =	sld [smem:$0x3FB1]  }
0x29: {  	s4 =	sld [smem:$0x3FB3]  }
0x2a: {  	p0 =	seq.s32 s5, $0x0;
	s5 =	sld [smem:$0x3FB4]  }
0x2b: {  	s6 =	sld [smem:$0x3FB5]  }
0x2c: {  	s7 =	sld [smem:$0x3FB6]  }
0x2d: {  	s3 =	simm.s32 $0x108;
	s8 =	sld [smem:$0x3FB7]  }
0x2e: {  	s3 =	simm.s32 @!p0 $0x1082;
	s9 =	sld [smem:$0x3FB8]  }
0x2f: {  	lr =	sadd.s32 s0, s3;
	s0 =	sld [smem:$0x3FAF]  }
0x30: {  	s3 =	sld [smem:$0x3FB2]  }
0x31: {  	[smem:$0x3FBB] =	sst s10  }
0x32: {  	s10 =	sld [smem:$0x3FB9];
	_ =	sdelay $0x3  }
0x33: {  	p0 =	seq.s32 s10, $0x1;
	s10 =	sld [smem:$0x3FBB];
	_ =	sdelay $0x3  }
0x34: {  	[smem:$0x3FBB] =	sst s10  }
0x35: {  	s10 =	sld [smem:$0x3FBA];
	_ =	sdelay $0x3  }
0x36: {  	p1 =	seq.s32 s10, $0x1;
	s10 =	sld [smem:$0x3FBB];
	_ =	sdelay $0x3  }
0x37: {  	[smem:$0x3FBB] =	sst s10  }
0x38: {  	s10 =	sld [smem:$0x3FBC]  }
0x39: {  	_ = 	snop;
	(pc) =	sbr.ind lr, $3  }
0x3a: {  	_ = 	snop  }
0x3b: {  	_ = 	snop  }
0x3c: {  	p2 =	seq.s32 s10, $0x1;
	s10 =	sld [smem:$0x3FBB]  }
0x3d: {  	_ =	shalt  }
0x3e: {  	_ =	shalt  }
0x3f: {  	_ =	shalt  }
0x40: {  	_ =	shalt  }
0x41: {  	_ =	shalt  }
0x42: {  	_ =	shalt  }
0x43: {  	_ =	shalt  }
0x44: {  	_ =	shalt  }
0x45: {  	_ =	shalt  }
0x46: {  	_ =	shalt  }
0x47: {  	_ =	shalt  }
0x48: {  	_ =	shalt  }
0x49: {  	_ =	shalt  }
0x4a: {  	_ =	shalt  }
0x4b: {  	_ =	shalt  }
0x4c: {  	_ =	shalt  }
0x4d: {  	_ =	shalt  }
0x4e: {  	_ =	shalt  }
0x4f: {  	_ =	shalt  }
0x50: {  	_ =	shalt  }
0x51: {  	_ =	shalt  }
0x52: {  	_ =	shalt  }
0x53: {  	_ =	shalt  }
0x54: {  	_ =	shalt  }
0x55: {  	_ =	shalt  }
0x56: {  	_ =	shalt  }
0x57: {  	_ =	shalt  }
0x58: {  	_ =	shalt  }
0x59: {  	_ =	shalt  }
0x5a: {  	_ =	shalt  }
0x5b: {  	_ =	shalt  }
0x5c: {  	_ =	shalt  }
0x5d: {  	_ =	shalt  }
0x5e: {  	_ =	shalt  }
0x5f: {  	_ =	shalt  }
0x60: {  	_ =	shalt  }
0x61: {  	_ =	shalt  }
0x62: {  	_ =	shalt  }
0x63: {  	_ =	shalt  }
0x64: {  	_ =	shalt  }
0x65: {  	_ =	shalt  }
0x66: {  	_ =	shalt  }
0x67: {  	_ =	shalt  }
0x68: {  	_ =	shalt  }
0x69: {  	_ =	shalt  }
0x6a: {  	_ =	shalt  }
0x6b: {  	_ =	shalt  }
0x6c: {  	_ =	shalt  }
0x6d: {  	_ =	shalt  }
0x6e: {  	_ =	shalt  }
0x6f: {  	_ =	shalt  }
0x70: {  	_ =	shalt  }
0x71: {  	_ =	shalt  }
0x72: {  	_ =	shalt  }
0x73: {  	_ =	shalt  }
0x74: {  	_ =	shalt  }
0x75: {  	_ =	shalt  }
0x76: {  	_ =	shalt  }
0x77: {  	_ =	shalt  }
0x78: {  	_ =	shalt  }
0x79: {  	_ =	shalt  }
0x7a: {  	_ =	shalt  }
0x7b: {  	_ =	shalt  }
0x7c: {  	_ =	shalt  }
0x7d: {  	_ =	shalt  }
0x7e: {  	_ =	shalt  }
0x7f: {  	_ =	shalt  }
0x80: {  	_ =	shalt  }
0x81: {  	_ =	shalt  }
0x82: {  	_ =	shalt  }
0x83: {  	_ =	shalt  }
0x84: {  	_ =	shalt  }
0x85: {  	_ =	shalt  }
0x86: {  	_ =	shalt  }
0x87: {  	_ =	shalt  }
.Lfunc_end0:
.L_simem_size_0:
called_computation_lowered:
.L_overlay_start_0:
0x88: {  	s2 =	sld [smem:$0x3FD9]  }
0x89: {  	s3 =	sld [smem:$0x3FFE];
	_ =	sdelay $0x1  }
0x8a: {  	s1 =	srdreg.scid  }
0x8b: {  	s0 =	sand.u32 $0x1, s1  }
0x8c: {  	s18 =	sshll.u32 s0, $0xA;
	s2 =	sadd.s32 s3, s2  }
0x8d: {  	s2 =	sadd.s32 s2, s18  }
0x8e: {  	[smem:$0x3FC7] =	sst s2  }
0x8f: {  	_ = 	snop  }
0x90: {  	s2 =	sld [smem:$0x3FC9]  }
0x91: {  	s19 =	sld [smem:$0x3FD0];
	(tm) =	ssettm $0x1  }
0x92: {  	s4 =	sld [smem:$0x3FFB];
	_ =	sdelay $0x3  }
0x93: {  	_ =	strace s4  }
0x94: {  	s4 =	sld [smem:$0x3FFC];
	_ =	sdelay $0x3  }
0x95: {  	_ =	strace s4  }
0x96: {  	s4 =	sld [smem:$0x3FFD];
	_ =	sdelay $0x3  }
0x97: {  	_ =	strace s4  }
0x98: {  	_ =	strace $0x8FFFFFFF  }
0x99: {  	s20 =	sld [smem:$0x3FDB];
	_ =	sdelay $0x1  }
0x9a: {  	s5 =	simm.s32 $_scs_section_size  }
0x9b: {  	s6 =	simm.s32 $_size__tile_overlayer_lowered;
	s7 =	simm.s32 $_tile_overlayer_lowered  }
0x9c: {  	s23 =	simm.s32 $0x1BFF;
	s22 =	sshll.u32 s7, $0x1;
	s4 =	sadd.s32 s5, s20  }
0x9d: {  	s8 =	simm.s32 $0x0;
	s21 =	sshll.u32 s6, $0x1;
	s6 =	sadd.s32 s22, s4  }
0x9e: {  	[timem:s8], [sflag:s23] =	dma.local [hbm:s6], s21  }
0x9f: {  	_ =	swait.ge [sflag:s23], s21  }
0xa0: {  	s5 =	ssub.s32 $0x0, s21;
	[sflag:s23] =	ssyncset.done $0x0  }
0xa1: {  	[sflag:s23] =	ssyncadd.s32 s5;
	_ =	sdelay $0x1  }
0xa2: {  	s24 =	simm.s32 $0x1B8B  }
0xa3: {  	_ =	swait.ge [sflag:s24], $0x1  }
0xa4: {  	[sflag:s24] =	ssyncset.done $0x0  }
0xa5: {  	s25 =	simm.s32 $0x1B8E;
	[sflag:s24] =	ssyncadd.s32 $0xFFFFFFFF  }
0xa6: {  	s26 =	simm.s32 $execute0_lowered;
	[smem:$0x3FD2] =	sst s25  }
0xa7: {  	s5 =	sshll.u32 s26, $0x1;
	_ =	strace $0x80000046;
	[dreg:$0x1] =	wrdreg $0xFFFFFFFF  }
0xa8: {  	s28 =	simm.s32 $_size_execute0_lowered;
	s4 =	sadd.s32 s4, s5;
	[dreg:$0x0] =	wrdreg $0x0  }
0xa9: {  	s5 =	sshll.u32 s28, $0x1;
	[dreg:$0x2] =	wrdreg s4  }
0xaa: {  	[dreg:$0x3] =	wrdreg s5  }
0xab: {  	[dreg:$0x4] =	wrdreg $0xC0  }
0xac: {  	_ =	task [dreg:s8], $0x5FFFF  }
0xad: {  	[dreg:$0x1] =	wrdreg $0xFFFFFFFF  }
0xae: {  	[dreg:$0x0] =	wrdreg $0x60  }
0xaf: {  	[dreg:$0x2] =	wrdreg s2  }
0xb0: {  	[dreg:$0x3] =	wrdreg s19  }
0xb1: {  	[dreg:$0x4] =	wrdreg $0x9  }
0xb2: {  	_ =	task.clear_ibuf [dreg:s8], $0x5FFFF;
	_ =	strace $0x90000046  }
0xb3: {  	s29 =	simm.s32 $0x9;
	_ =	strace $0x80000048  }
0xb4: {  	_ =	swait.ge [sflag:s29], $0x1  }
0xb5: {  	[sflag:s29] =	ssyncadd.s32 $0xFFFFFFFF  }
0xb6: {  	_ =	strace $0x90000048  }
0xb7: {  	_ =	sfence  }
0xb8: {  	s30 =	sld [smem:$0x0];
	_ =	sdelay $0x2  }
0xb9: {  	s31 =	sshll.u32 s1, $0xD;
	s1 =	sshrl.u32 s1, $0x2  }
0xba: {  	s3 =	sand.u32 $0x4000, s31;
	s1 =	sadd.s32 s1, s30  }
0xbb: {  	s0 =	sor.u32 s3, s0;
	s1 =	sshll.u32 s1, $0x11  }
0xbc: {  	s0 =	sor.u32 s1, s0  }
0xbd: {  	s0 =	sadd.s32 $0x8F2B, s0  }
0xbe: {  	[sflag:s0] =	ssyncadd.remote.s32 $0x1  }
0xbf: {  	_ =	sfence.sel $0xFFFF  }
0xc0: {  	[dreg:$0x0] =	wrdreg $0xFFFFFFFF;
	(pc) =	sbr.abs _section_cstart, $3  }
0xc1: {  	[dreg:$0x1] =	wrdreg $0xFFFFFFFF  }
0xc2: {  	_ =	task.clear_ibuf [dreg:s8], $0x2FFFF;
	_ =	strace $0x9FFFFFFF  }
0xc3: {  	(tm) =	ssettm $0x7FFFFFFF  }
tec
execute0_lowered:
.L_overlay_start_1:
0x0: {  	(tag) =	ssettag $0x1  }
0x1: {  	s1 =	srdreg.scid;
	s2 =	rddreg [dreg:$0x0]  }
0x2: {  	s0 =	stileid.u32;
	s17 =	rddreg [dreg:$0x1];
	s3 =	simm.s32 $0x0  }
0x3: {  	s16 =	sand.u32 $0x1, s1;
	s4 =	smul.u32 $0x640000, s0;
	s1 =	rddreg [dreg:$0x2]  }
0x4: {  	[smem:$0x7FF] =	sst s3;
	s5 =	smul.u32 $0x320000, s16  }
0x5: {  	s19 =	smul.u32 $0xC8000, s0;
	s23 =	ssub.s32 $0x2, s16;
	_ =	strace $0x80000047  }
0x6: {  	s21 =	smul.u32 $0x64000, s16;
	s6 =	sshrl.u32 s23, $0x1;
	s18 =	sadd.s32 s5, s4  }
0x7: {  	s19 =	sadd.s32 s19, s17;
	s4 =	ssub.s32 s23, s6;
	s5 =	sadd.s32 $0x5DC00, s18  }
0x8: {  	s24 =	sadd.s32 $0x57800, s18;
	s4 =	smax.u32 s4, $0x1;
	s26 =	sadd.s32 $0x51400, s18  }
0x9: {  	s7 =	sadd.s32 $0x4B000, s18;
	s30 =	sadd.s32 $0x44C00, s18;
	s8 =	sadd.s32 $0x3E800, s18  }
0xa: {  	s9 =	sadd.s32 $0x38400, s18;
	s10 =	sadd.s32 $0x32000, s18;
	s11 =	sadd.s32 $0x2BC00, s18  }
0xb: {  	s12 =	sadd.s32 $0x25800, s18;
	s13 =	sor.u32 $0x1F400, s18;
	s14 =	sor.u32 $0x19000, s18  }
0xc: {  	s15 =	sor.u32 $0x12C00, s18;
	s20 =	sor.u32 $0xC800, s18;
	s18 =	sor.u32 $0x6400, s18  }
0xd: {  	s5 =	sshrl.u32 s5, $0x3;
	s25 =	sshrl.u32 s24, $0x3;
	s28 =	sshrl.u32 s26, $0x3  }
0xe: {  	s29 =	sshrl.u32 s7, $0x3;
	s7 =	sshrl.u32 s30, $0x3;
	s8 =	sshrl.u32 s8, $0x3  }
0xf: {  	s9 =	sshrl.u32 s9, $0x3;
	s10 =	sshrl.u32 s10, $0x3;
	s11 =	sshrl.u32 s11, $0x3  }
0x10: {  	s12 =	sshrl.u32 s12, $0x3;
	s13 =	sshrl.u32 s13, $0x3;
	s14 =	sshrl.u32 s14, $0x3  }
0x11: {  	s15 =	sshrl.u32 s15, $0x3;
	s31 =	sshrl.u32 s20, $0x3;
	s18 =	sshrl.u32 s18, $0x3  }
0x12: {  	s20 =	simm.s32 $0x1;
	s5 =	sadd.s32 s5, s17;
	s6 =	sadd.s32 s29, s17  }
0x13: {  	s7 =	sadd.s32 s7, s17;
	s8 =	sadd.s32 s8, s17;
	s9 =	sadd.s32 s9, s17  }
0x14: {  	s10 =	sadd.s32 s10, s17;
	s11 =	sadd.s32 s11, s17;
	s12 =	sadd.s32 s12, s17  }
0x15: {  	s13 =	sadd.s32 s13, s17;
	s14 =	sadd.s32 s14, s17;
	s15 =	sadd.s32 s15, s17  }
0x16: {  	s16 =	sadd.s32 s31, s17;
	[dreg:$0x3] =	wrdreg s5;
	s5 =	sadd.s32 s25, s17  }
0x17: {  	[dreg:$0x4] =	wrdreg s5;
	s5 =	sadd.s32 s28, s17;
	s17 =	sadd.s32 s18, s17  }
0x18: {  	s18 =	sadd.s32 s21, s19;
	s19 =	simm.s32 $0x2;
	s21 =	simm.s32 $0x0  }
.LBB2_1:
0x19: {  	[tilespmem:s3], [sflag:$0x2] =	stream.linear.gather [hbm4b:s2+s3], $0x6400, $0x38;
	[tilespmem:$0x6400] =	vst v63  }
0x1a: {  	_ =	swait.ge [sflag:s19], $0x6400  }
0x1b: {  	[sflag:s19] =	ssyncset.done $0x0  }
0x1c: {  	s22 =	sadd.s32 $0x0, s18;
	[sflag:s19] =	ssyncadd.s32 $0xFFFF9C00  }
0x1d: {  	[hbm4b:s22+s3] =	stream.linear.scatter [tilespmem:s3], [sflag:$0x1], $0x6400, $0x38;
	[tilespmem:$0x6400] =	vst v63  }
0x1e: {  	_ = 	snop  }
0x1f: {  	[hbm4b:s22+s3] =	stream.linear.scatter [tilespmem:s3], [sflag:$0x1], $0x6400, $0x38;
	[tilespmem:$0x6400] =	vst v63  }
0x20: {  	s23 =	sadd.s32 $0x0, s17  }
0x21: {  	[hbm4b:s23+s3] =	stream.linear.scatter [tilespmem:s3], [sflag:$0x1], $0x6400, $0x38;
	[tilespmem:$0x6400] =	vst v63  }
0x22: {  	_ = 	snop  }
0x23: {  	[hbm4b:s23+s3] =	stream.linear.scatter [tilespmem:s3], [sflag:$0x1], $0x6400, $0x38;
	[tilespmem:$0x6400] =	vst v63  }
0x24: {  	s24 =	sadd.s32 $0x0, s16  }
0x25: {  	[hbm4b:s24+s3] =	stream.linear.scatter [tilespmem:s3], [sflag:$0x1], $0x6400, $0x38;
	[tilespmem:$0x6400] =	vst v63  }
0x26: {  	_ = 	snop  }
0x27: {  	[hbm4b:s24+s3] =	stream.linear.scatter [tilespmem:s3], [sflag:$0x1], $0x6400, $0x38;
	[tilespmem:$0x6400] =	vst v63  }
0x28: {  	s25 =	sadd.s32 $0x0, s15  }
0x29: {  	[hbm4b:s25+s3] =	stream.linear.scatter [tilespmem:s3], [sflag:$0x1], $0x6400, $0x38;
	[tilespmem:$0x6400] =	vst v63  }
0x2a: {  	_ = 	snop  }
0x2b: {  	[hbm4b:s25+s3] =	stream.linear.scatter [tilespmem:s3], [sflag:$0x1], $0x6400, $0x38;
	[tilespmem:$0x6400] =	vst v63  }
0x2c: {  	s26 =	sadd.s32 $0x0, s14  }
0x2d: {  	[hbm4b:s26+s3] =	stream.linear.scatter [tilespmem:s3], [sflag:$0x1], $0x6400, $0x38;
	[tilespmem:$0x6400] =	vst v63  }
0x2e: {  	_ = 	snop  }
0x2f: {  	[hbm4b:s26+s3] =	stream.linear.scatter [tilespmem:s3], [sflag:$0x1], $0x6400, $0x38;
	[tilespmem:$0x6400] =	vst v63  }
0x30: {  	s28 =	sadd.s32 $0x0, s13  }
0x31: {  	[hbm4b:s28+s3] =	stream.linear.scatter [tilespmem:s3], [sflag:$0x1], $0x6400, $0x38;
	[tilespmem:$0x6400] =	vst v63  }
0x32: {  	_ = 	snop  }
0x33: {  	[hbm4b:s28+s3] =	stream.linear.scatter [tilespmem:s3], [sflag:$0x1], $0x6400, $0x38;
	[tilespmem:$0x6400] =	vst v63  }
0x34: {  	s29 =	sadd.s32 $0x0, s12  }
0x35: {  	[hbm4b:s29+s3] =	stream.linear.scatter [tilespmem:s3], [sflag:$0x1], $0x6400, $0x38;
	[tilespmem:$0x6400] =	vst v63  }
0x36: {  	_ = 	snop  }
0x37: {  	[hbm4b:s29+s3] =	stream.linear.scatter [tilespmem:s3], [sflag:$0x1], $0x6400, $0x38;
	[tilespmem:$0x6400] =	vst v63  }
0x38: {  	s30 =	sadd.s32 $0x0, s11  }
0x39: {  	[hbm4b:s30+s3] =	stream.linear.scatter [tilespmem:s3], [sflag:$0x1], $0x6400, $0x38;
	[tilespmem:$0x6400] =	vst v63  }
0x3a: {  	_ = 	snop  }
0x3b: {  	[hbm4b:s30+s3] =	stream.linear.scatter [tilespmem:s3], [sflag:$0x1], $0x6400, $0x38;
	[tilespmem:$0x6400] =	vst v63  }
0x3c: {  	s31 =	sadd.s32 $0x0, s10  }
0x3d: {  	[hbm4b:s31+s3] =	stream.linear.scatter [tilespmem:s3], [sflag:$0x1], $0x6400, $0x38;
	[tilespmem:$0x6400] =	vst v63  }
0x3e: {  	_ = 	snop  }
0x3f: {  	[hbm4b:s31+s3] =	stream.linear.scatter [tilespmem:s3], [sflag:$0x1], $0x6400, $0x38;
	[tilespmem:$0x6400] =	vst v63  }
0x40: {  	s23 =	sadd.s32 $0x0, s9  }
0x41: {  	[hbm4b:s23+s3] =	stream.linear.scatter [tilespmem:s3], [sflag:$0x1], $0x6400, $0x38;
	[tilespmem:$0x6400] =	vst v63  }
0x42: {  	_ = 	snop  }
0x43: {  	[hbm4b:s23+s3] =	stream.linear.scatter [tilespmem:s3], [sflag:$0x1], $0x6400, $0x38;
	[tilespmem:$0x6400] =	vst v63  }
0x44: {  	s24 =	sadd.s32 $0x0, s8  }
0x45: {  	[hbm4b:s24+s3] =	stream.linear.scatter [tilespmem:s3], [sflag:$0x1], $0x6400, $0x38;
	[tilespmem:$0x6400] =	vst v63  }
0x46: {  	_ = 	snop  }
0x47: {  	[hbm4b:s24+s3] =	stream.linear.scatter [tilespmem:s3], [sflag:$0x1], $0x6400, $0x38;
	[tilespmem:$0x6400] =	vst v63  }
0x48: {  	s25 =	sadd.s32 $0x0, s7  }
0x49: {  	[hbm4b:s25+s3] =	stream.linear.scatter [tilespmem:s3], [sflag:$0x1], $0x6400, $0x38;
	[tilespmem:$0x6400] =	vst v63  }
0x4a: {  	_ = 	snop  }
0x4b: {  	[hbm4b:s25+s3] =	stream.linear.scatter [tilespmem:s3], [sflag:$0x1], $0x6400, $0x38;
	[tilespmem:$0x6400] =	vst v63  }
0x4c: {  	s26 =	sadd.s32 $0x0, s6  }
0x4d: {  	[hbm4b:s26+s3] =	stream.linear.scatter [tilespmem:s3], [sflag:$0x1], $0x6400, $0x38;
	[tilespmem:$0x6400] =	vst v63  }
0x4e: {  	_ = 	snop  }
0x4f: {  	[hbm4b:s26+s3] =	stream.linear.scatter [tilespmem:s3], [sflag:$0x1], $0x6400, $0x38;
	[tilespmem:$0x6400] =	vst v63  }
0x50: {  	s28 =	sadd.s32 $0x0, s5  }
0x51: {  	[hbm4b:s28+s3] =	stream.linear.scatter [tilespmem:s3], [sflag:$0x1], $0x6400, $0x38;
	[tilespmem:$0x6400] =	vst v63  }
0x52: {  	s23 =	rddreg [dreg:$0x4]  }
0x53: {  	[hbm4b:s28+s3] =	stream.linear.scatter [tilespmem:s3], [sflag:$0x1], $0x6400, $0x38;
	[tilespmem:$0x6400] =	vst v63  }
0x54: {  	s29 =	sadd.s32 $0x0, s23  }
0x55: {  	[hbm4b:s29+s3] =	stream.linear.scatter [tilespmem:s3], [sflag:$0x1], $0x6400, $0x38;
	[tilespmem:$0x6400] =	vst v63  }
0x56: {  	s30 =	rddreg [dreg:$0x3]  }
0x57: {  	[hbm4b:s29+s3] =	stream.linear.scatter [tilespmem:s3], [sflag:$0x1], $0x6400, $0x38;
	[tilespmem:$0x6400] =	vst v63  }
0x58: {  	s31 =	sadd.s32 $0x0, s30  }
0x59: {  	[hbm4b:s31+s3] =	stream.linear.scatter [tilespmem:s3], [sflag:$0x1], $0x6400, $0x38;
	[tilespmem:$0x6400] =	vst v63  }
0x5a: {  	_ = 	snop  }
0x5b: {  	[hbm4b:s31+s3] =	stream.linear.scatter [tilespmem:s3], [sflag:$0x1], $0x6400, $0x38;
	[tilespmem:$0x6400] =	vst v63  }
0x5c: {  	_ =	swait.ge [sflag:s20], $0x6400  }
0x5d: {  	[sflag:s20] =	ssyncset.done $0x0  }
0x5e: {  	[sflag:s20] =	ssyncadd.s32 $0xFFFF9C00  }
0x5f: {  	_ =	swait.ge [sflag:s20], $0x6400  }
0x60: {  	[sflag:s20] =	ssyncset.done $0x0  }
0x61: {  	[sflag:s20] =	ssyncadd.s32 $0xFFFF9C00  }
0x62: {  	_ =	swait.ge [sflag:s20], $0x6400  }
0x63: {  	[sflag:s20] =	ssyncset.done $0x0  }
0x64: {  	[sflag:s20] =	ssyncadd.s32 $0xFFFF9C00  }
0x65: {  	_ =	swait.ge [sflag:s20], $0x6400  }
0x66: {  	[sflag:s20] =	ssyncset.done $0x0  }
0x67: {  	[sflag:s20] =	ssyncadd.s32 $0xFFFF9C00  }
0x68: {  	_ =	swait.ge [sflag:s20], $0x6400  }
0x69: {  	[sflag:s20] =	ssyncset.done $0x0  }
0x6a: {  	[sflag:s20] =	ssyncadd.s32 $0xFFFF9C00  }
0x6b: {  	_ =	swait.ge [sflag:s20], $0x6400  }
0x6c: {  	[sflag:s20] =	ssyncset.done $0x0  }
0x6d: {  	[sflag:s20] =	ssyncadd.s32 $0xFFFF9C00  }
0x6e: {  	_ =	swait.ge [sflag:s20], $0x6400  }
0x6f: {  	[sflag:s20] =	ssyncset.done $0x0  }
0x70: {  	[sflag:s20] =	ssyncadd.s32 $0xFFFF9C00  }
0x71: {  	_ =	swait.ge [sflag:s20], $0x6400  }
0x72: {  	[sflag:s20] =	ssyncset.done $0x0  }
0x73: {  	[sflag:s20] =	ssyncadd.s32 $0xFFFF9C00  }
0x74: {  	_ =	swait.ge [sflag:s20], $0x6400  }
0x75: {  	[sflag:s20] =	ssyncset.done $0x0  }
0x76: {  	[sflag:s20] =	ssyncadd.s32 $0xFFFF9C00  }
0x77: {  	_ =	swait.ge [sflag:s20], $0x6400  }
0x78: {  	[sflag:s20] =	ssyncset.done $0x0  }
0x79: {  	[sflag:s20] =	ssyncadd.s32 $0xFFFF9C00  }
0x7a: {  	_ =	swait.ge [sflag:s20], $0x6400  }
0x7b: {  	[sflag:s20] =	ssyncset.done $0x0  }
0x7c: {  	[sflag:s20] =	ssyncadd.s32 $0xFFFF9C00  }
0x7d: {  	_ =	swait.ge [sflag:s20], $0x6400  }
0x7e: {  	[sflag:s20] =	ssyncset.done $0x0  }
0x7f: {  	[sflag:s20] =	ssyncadd.s32 $0xFFFF9C00  }
0x80: {  	_ =	swait.ge [sflag:s20], $0x6400  }
0x81: {  	[sflag:s20] =	ssyncset.done $0x0  }
0x82: {  	[sflag:s20] =	ssyncadd.s32 $0xFFFF9C00  }
0x83: {  	_ =	swait.ge [sflag:s20], $0x6400  }
0x84: {  	[sflag:s20] =	ssyncset.done $0x0  }
0x85: {  	[sflag:s20] =	ssyncadd.s32 $0xFFFF9C00  }
0x86: {  	_ =	swait.ge [sflag:s20], $0x6400  }
0x87: {  	[sflag:s20] =	ssyncset.done $0x0  }
0x88: {  	[sflag:s20] =	ssyncadd.s32 $0xFFFF9C00  }
0x89: {  	_ =	swait.ge [sflag:s20], $0x6400  }
0x8a: {  	s22 =	simm.s32 $0xC800;
	s25 =	simm.s32 $0x19000;
	[sflag:s20] =	ssyncset.done $0x0  }
.LBB2_2:
0x8b: {  	s26 =	sadd.s32 s22, s18;
	[sflag:s20] =	ssyncadd.s32 $0xFFFF9C00  }
0x8c: {  	[hbm4b:s26+s3] =	stream.linear.scatter [tilespmem:s3], [sflag:$0x1], $0x6400, $0x38;
	[tilespmem:$0x6400] =	vst v63  }
0x8d: {  	_ = 	snop  }
0x8e: {  	[hbm4b:s26+s3] =	stream.linear.scatter [tilespmem:s3], [sflag:$0x1], $0x6400, $0x38;
	[tilespmem:$0x6400] =	vst v63  }
0x8f: {  	s30 =	sadd.s32 s22, s17  }
0x90: {  	[hbm4b:s30+s3] =	stream.linear.scatter [tilespmem:s3], [sflag:$0x1], $0x6400, $0x38;
	[tilespmem:$0x6400] =	vst v63  }
0x91: {  	_ = 	snop  }
0x92: {  	[hbm4b:s30+s3] =	stream.linear.scatter [tilespmem:s3], [sflag:$0x1], $0x6400, $0x38;
	[tilespmem:$0x6400] =	vst v63  }
0x93: {  	s31 =	sadd.s32 s22, s16  }
0x94: {  	[hbm4b:s31+s3] =	stream.linear.scatter [tilespmem:s3], [sflag:$0x1], $0x6400, $0x38;
	[tilespmem:$0x6400] =	vst v63  }
0x95: {  	_ = 	snop  }
0x96: {  	[hbm4b:s31+s3] =	stream.linear.scatter [tilespmem:s3], [sflag:$0x1], $0x6400, $0x38;
	[tilespmem:$0x6400] =	vst v63  }
0x97: {  	s26 =	sadd.s32 s22, s15  }
0x98: {  	[hbm4b:s26+s3] =	stream.linear.scatter [tilespmem:s3], [sflag:$0x1], $0x6400, $0x38;
	[tilespmem:$0x6400] =	vst v63  }
0x99: {  	_ = 	snop  }
0x9a: {  	[hbm4b:s26+s3] =	stream.linear.scatter [tilespmem:s3], [sflag:$0x1], $0x6400, $0x38;
	[tilespmem:$0x6400] =	vst v63  }
0x9b: {  	s28 =	sadd.s32 s22, s14  }
0x9c: {  	[hbm4b:s28+s3] =	stream.linear.scatter [tilespmem:s3], [sflag:$0x1], $0x6400, $0x38;
	[tilespmem:$0x6400] =	vst v63  }
0x9d: {  	_ = 	snop  }
0x9e: {  	[hbm4b:s28+s3] =	stream.linear.scatter [tilespmem:s3], [sflag:$0x1], $0x6400, $0x38;
	[tilespmem:$0x6400] =	vst v63  }
0x9f: {  	s29 =	sadd.s32 s22, s13  }
0xa0: {  	[hbm4b:s29+s3] =	stream.linear.scatter [tilespmem:s3], [sflag:$0x1], $0x6400, $0x38;
	[tilespmem:$0x6400] =	vst v63  }
0xa1: {  	_ = 	snop  }
0xa2: {  	[hbm4b:s29+s3] =	stream.linear.scatter [tilespmem:s3], [sflag:$0x1], $0x6400, $0x38;
	[tilespmem:$0x6400] =	vst v63  }
0xa3: {  	s30 =	sadd.s32 s22, s12  }
0xa4: {  	[hbm4b:s30+s3] =	stream.linear.scatter [tilespmem:s3], [sflag:$0x1], $0x6400, $0x38;
	[tilespmem:$0x6400] =	vst v63  }
0xa5: {  	_ = 	snop  }
0xa6: {  	[hbm4b:s30+s3] =	stream.linear.scatter [tilespmem:s3], [sflag:$0x1], $0x6400, $0x38;
	[tilespmem:$0x6400] =	vst v63  }
0xa7: {  	s31 =	sadd.s32 s22, s11  }
0xa8: {  	[hbm4b:s31+s3] =	stream.linear.scatter [tilespmem:s3], [sflag:$0x1], $0x6400, $0x38;
	[tilespmem:$0x6400] =	vst v63  }
0xa9: {  	_ = 	snop  }
0xaa: {  	[hbm4b:s31+s3] =	stream.linear.scatter [tilespmem:s3], [sflag:$0x1], $0x6400, $0x38;
	[tilespmem:$0x6400] =	vst v63  }
0xab: {  	s26 =	sadd.s32 s22, s10  }
0xac: {  	[hbm4b:s26+s3] =	stream.linear.scatter [tilespmem:s3], [sflag:$0x1], $0x6400, $0x38;
	[tilespmem:$0x6400] =	vst v63  }
0xad: {  	_ = 	snop  }
0xae: {  	[hbm4b:s26+s3] =	stream.linear.scatter [tilespmem:s3], [sflag:$0x1], $0x6400, $0x38;
	[tilespmem:$0x6400] =	vst v63  }
0xaf: {  	s28 =	sadd.s32 s22, s9  }
0xb0: {  	[hbm4b:s28+s3] =	stream.linear.scatter [tilespmem:s3], [sflag:$0x1], $0x6400, $0x38;
	[tilespmem:$0x6400] =	vst v63  }
0xb1: {  	_ = 	snop  }
0xb2: {  	[hbm4b:s28+s3] =	stream.linear.scatter [tilespmem:s3], [sflag:$0x1], $0x6400, $0x38;
	[tilespmem:$0x6400] =	vst v63  }
0xb3: {  	s29 =	sadd.s32 s22, s8  }
0xb4: {  	[hbm4b:s29+s3] =	stream.linear.scatter [tilespmem:s3], [sflag:$0x1], $0x6400, $0x38;
	[tilespmem:$0x6400] =	vst v63  }
0xb5: {  	_ = 	snop  }
0xb6: {  	[hbm4b:s29+s3] =	stream.linear.scatter [tilespmem:s3], [sflag:$0x1], $0x6400, $0x38;
	[tilespmem:$0x6400] =	vst v63  }
0xb7: {  	s30 =	sadd.s32 s22, s7  }
0xb8: {  	[hbm4b:s30+s3] =	stream.linear.scatter [tilespmem:s3], [sflag:$0x1], $0x6400, $0x38;
	[tilespmem:$0x6400] =	vst v63  }
0xb9: {  	_ = 	snop  }
0xba: {  	[hbm4b:s30+s3] =	stream.linear.scatter [tilespmem:s3], [sflag:$0x1], $0x6400, $0x38;
	[tilespmem:$0x6400] =	vst v63  }
0xbb: {  	s31 =	sadd.s32 s22, s6  }
0xbc: {  	[hbm4b:s31+s3] =	stream.linear.scatter [tilespmem:s3], [sflag:$0x1], $0x6400, $0x38;
	[tilespmem:$0x6400] =	vst v63  }
0xbd: {  	_ = 	snop  }
0xbe: {  	[hbm4b:s31+s3] =	stream.linear.scatter [tilespmem:s3], [sflag:$0x1], $0x6400, $0x38;
	[tilespmem:$0x6400] =	vst v63  }
0xbf: {  	s26 =	sadd.s32 s22, s5  }
0xc0: {  	[hbm4b:s26+s3] =	stream.linear.scatter [tilespmem:s3], [sflag:$0x1], $0x6400, $0x38;
	[tilespmem:$0x6400] =	vst v63  }
0xc1: {  	s28 =	rddreg [dreg:$0x4]  }
0xc2: {  	[hbm4b:s26+s3] =	stream.linear.scatter [tilespmem:s3], [sflag:$0x1], $0x6400, $0x38;
	[tilespmem:$0x6400] =	vst v63  }
0xc3: {  	s29 =	sadd.s32 s22, s28  }
0xc4: {  	[hbm4b:s29+s3] =	stream.linear.scatter [tilespmem:s3], [sflag:$0x1], $0x6400, $0x38;
	[tilespmem:$0x6400] =	vst v63  }
0xc5: {  	s30 =	rddreg [dreg:$0x3]  }
0xc6: {  	[hbm4b:s29+s3] =	stream.linear.scatter [tilespmem:s3], [sflag:$0x1], $0x6400, $0x38;
	[tilespmem:$0x6400] =	vst v63  }
0xc7: {  	s31 =	sadd.s32 s22, s30  }
0xc8: {  	[hbm4b:s31+s3] =	stream.linear.scatter [tilespmem:s3], [sflag:$0x1], $0x6400, $0x38;
	[tilespmem:$0x6400] =	vst v63  }
0xc9: {  	_ = 	snop  }
0xca: {  	[hbm4b:s31+s3] =	stream.linear.scatter [tilespmem:s3], [sflag:$0x1], $0x6400, $0x38;
	[tilespmem:$0x6400] =	vst v63  }
0xcb: {  	_ =	swait.ge [sflag:s20], $0x6400  }
0xcc: {  	[sflag:s20] =	ssyncset.done $0x0  }
0xcd: {  	[sflag:s20] =	ssyncadd.s32 $0xFFFF9C00  }
0xce: {  	_ =	swait.ge [sflag:s20], $0x6400  }
0xcf: {  	[sflag:s20] =	ssyncset.done $0x0  }
0xd0: {  	[sflag:s20] =	ssyncadd.s32 $0xFFFF9C00  }
0xd1: {  	_ =	swait.ge [sflag:s20], $0x6400  }
0xd2: {  	[sflag:s20] =	ssyncset.done $0x0  }
0xd3: {  	[sflag:s20] =	ssyncadd.s32 $0xFFFF9C00  }
0xd4: {  	_ =	swait.ge [sflag:s20], $0x6400  }
0xd5: {  	[sflag:s20] =	ssyncset.done $0x0  }
0xd6: {  	[sflag:s20] =	ssyncadd.s32 $0xFFFF9C00  }
0xd7: {  	_ =	swait.ge [sflag:s20], $0x6400  }
0xd8: {  	[sflag:s20] =	ssyncset.done $0x0  }
0xd9: {  	[sflag:s20] =	ssyncadd.s32 $0xFFFF9C00  }
0xda: {  	_ =	swait.ge [sflag:s20], $0x6400  }
0xdb: {  	[sflag:s20] =	ssyncset.done $0x0  }
0xdc: {  	[sflag:s20] =	ssyncadd.s32 $0xFFFF9C00  }
0xdd: {  	_ =	swait.ge [sflag:s20], $0x6400  }
0xde: {  	[sflag:s20] =	ssyncset.done $0x0  }
0xdf: {  	[sflag:s20] =	ssyncadd.s32 $0xFFFF9C00  }
0xe0: {  	_ =	swait.ge [sflag:s20], $0x6400  }
0xe1: {  	[sflag:s20] =	ssyncset.done $0x0  }
0xe2: {  	[sflag:s20] =	ssyncadd.s32 $0xFFFF9C00  }
0xe3: {  	_ =	swait.ge [sflag:s20], $0x6400  }
0xe4: {  	[sflag:s20] =	ssyncset.done $0x0  }
0xe5: {  	[sflag:s20] =	ssyncadd.s32 $0xFFFF9C00  }
0xe6: {  	_ =	swait.ge [sflag:s20], $0x6400  }
0xe7: {  	[sflag:s20] =	ssyncset.done $0x0  }
0xe8: {  	[sflag:s20] =	ssyncadd.s32 $0xFFFF9C00  }
0xe9: {  	_ =	swait.ge [sflag:s20], $0x6400  }
0xea: {  	[sflag:s20] =	ssyncset.done $0x0  }
0xeb: {  	[sflag:s20] =	ssyncadd.s32 $0xFFFF9C00  }
0xec: {  	_ =	swait.ge [sflag:s20], $0x6400  }
0xed: {  	[sflag:s20] =	ssyncset.done $0x0  }
0xee: {  	[sflag:s20] =	ssyncadd.s32 $0xFFFF9C00  }
0xef: {  	_ =	swait.ge [sflag:s20], $0x6400  }
0xf0: {  	[sflag:s20] =	ssyncset.done $0x0  }
0xf1: {  	[sflag:s20] =	ssyncadd.s32 $0xFFFF9C00  }
0xf2: {  	_ =	swait.ge [sflag:s20], $0x6400  }
0xf3: {  	[sflag:s20] =	ssyncset.done $0x0  }
0xf4: {  	p0 =	sne.s32 s25, $0x57800;
	[sflag:s20] =	ssyncadd.s32 $0xFFFF9C00  }
.Ltmp0:
0xf5: {  	_ =	swait.ge [sflag:s20], $0x6400;
	(pc) =	sbr.rel @p0 .LBB2_2-.Ltmp0, $4  }
0xf6: {  	[sflag:s20] =	ssyncset.done $0x0  }
0xf7: {  	[sflag:s20] =	ssyncadd.s32 $0xFFFF9C00  }
0xf8: {  	s24 =	smov.u32 s25;
	s23 =	sadd.s32 $0xC800, s25;
	_ =	swait.ge [sflag:s20], $0x6400  }
0xf9: {  	s25 =	smov.u32 s23;
	s22 =	smov.u32 s24;
	[sflag:s20] =	ssyncset.done $0x0  }
0xfa: {  	s23 =	sadd.s32 s22, s18;
	[sflag:s20] =	ssyncadd.s32 $0xFFFF9C00  }
0xfb: {  	[hbm4b:s23+s3] =	stream.linear.scatter [tilespmem:s3], [sflag:$0x1], $0x6400, $0x38;
	[tilespmem:$0x6400] =	vst v63  }
0xfc: {  	_ = 	snop  }
0xfd: {  	[hbm4b:s23+s3] =	stream.linear.scatter [tilespmem:s3], [sflag:$0x1], $0x6400, $0x38;
	[tilespmem:$0x6400] =	vst v63  }
0xfe: {  	s30 =	sadd.s32 s22, s17  }
0xff: {  	[hbm4b:s30+s3] =	stream.linear.scatter [tilespmem:s3], [sflag:$0x1], $0x6400, $0x38;
	[tilespmem:$0x6400] =	vst v63  }
0x100: {  	_ = 	snop  }
0x101: {  	[hbm4b:s30+s3] =	stream.linear.scatter [tilespmem:s3], [sflag:$0x1], $0x6400, $0x38;
	[tilespmem:$0x6400] =	vst v63  }
0x102: {  	s31 =	sadd.s32 s22, s16  }
0x103: {  	[hbm4b:s31+s3] =	stream.linear.scatter [tilespmem:s3], [sflag:$0x1], $0x6400, $0x38;
	[tilespmem:$0x6400] =	vst v63  }
0x104: {  	_ = 	snop  }
0x105: {  	[hbm4b:s31+s3] =	stream.linear.scatter [tilespmem:s3], [sflag:$0x1], $0x6400, $0x38;
	[tilespmem:$0x6400] =	vst v63  }
0x106: {  	s24 =	sadd.s32 s22, s15  }
0x107: {  	[hbm4b:s24+s3] =	stream.linear.scatter [tilespmem:s3], [sflag:$0x1], $0x6400, $0x38;
	[tilespmem:$0x6400] =	vst v63  }
0x108: {  	_ = 	snop  }
0x109: {  	[hbm4b:s24+s3] =	stream.linear.scatter [tilespmem:s3], [sflag:$0x1], $0x6400, $0x38;
	[tilespmem:$0x6400] =	vst v63  }
0x10a: {  	s25 =	sadd.s32 s22, s14  }
0x10b: {  	[hbm4b:s25+s3] =	stream.linear.scatter [tilespmem:s3], [sflag:$0x1], $0x6400, $0x38;
	[tilespmem:$0x6400] =	vst v63  }
0x10c: {  	_ = 	snop  }
0x10d: {  	[hbm4b:s25+s3] =	stream.linear.scatter [tilespmem:s3], [sflag:$0x1], $0x6400, $0x38;
	[tilespmem:$0x6400] =	vst v63  }
0x10e: {  	s26 =	sadd.s32 s22, s13  }
0x10f: {  	[hbm4b:s26+s3] =	stream.linear.scatter [tilespmem:s3], [sflag:$0x1], $0x6400, $0x38;
	[tilespmem:$0x6400] =	vst v63  }
0x110: {  	_ = 	snop  }
0x111: {  	[hbm4b:s26+s3] =	stream.linear.scatter [tilespmem:s3], [sflag:$0x1], $0x6400, $0x38;
	[tilespmem:$0x6400] =	vst v63  }
0x112: {  	s28 =	sadd.s32 s22, s12  }
0x113: {  	[hbm4b:s28+s3] =	stream.linear.scatter [tilespmem:s3], [sflag:$0x1], $0x6400, $0x38;
	[tilespmem:$0x6400] =	vst v63  }
0x114: {  	_ = 	snop  }
0x115: {  	[hbm4b:s28+s3] =	stream.linear.scatter [tilespmem:s3], [sflag:$0x1], $0x6400, $0x38;
	[tilespmem:$0x6400] =	vst v63  }
0x116: {  	s29 =	sadd.s32 s22, s11  }
0x117: {  	[hbm4b:s29+s3] =	stream.linear.scatter [tilespmem:s3], [sflag:$0x1], $0x6400, $0x38;
	[tilespmem:$0x6400] =	vst v63  }
0x118: {  	_ = 	snop  }
0x119: {  	[hbm4b:s29+s3] =	stream.linear.scatter [tilespmem:s3], [sflag:$0x1], $0x6400, $0x38;
	[tilespmem:$0x6400] =	vst v63  }
0x11a: {  	s30 =	sadd.s32 s22, s10  }
0x11b: {  	[hbm4b:s30+s3] =	stream.linear.scatter [tilespmem:s3], [sflag:$0x1], $0x6400, $0x38;
	[tilespmem:$0x6400] =	vst v63  }
0x11c: {  	_ = 	snop  }
0x11d: {  	[hbm4b:s30+s3] =	stream.linear.scatter [tilespmem:s3], [sflag:$0x1], $0x6400, $0x38;
	[tilespmem:$0x6400] =	vst v63  }
0x11e: {  	s31 =	sadd.s32 s22, s9  }
0x11f: {  	[hbm4b:s31+s3] =	stream.linear.scatter [tilespmem:s3], [sflag:$0x1], $0x6400, $0x38;
	[tilespmem:$0x6400] =	vst v63  }
0x120: {  	_ = 	snop  }
0x121: {  	[hbm4b:s31+s3] =	stream.linear.scatter [tilespmem:s3], [sflag:$0x1], $0x6400, $0x38;
	[tilespmem:$0x6400] =	vst v63  }
0x122: {  	s24 =	sadd.s32 s22, s8  }
0x123: {  	[hbm4b:s24+s3] =	stream.linear.scatter [tilespmem:s3], [sflag:$0x1], $0x6400, $0x38;
	[tilespmem:$0x6400] =	vst v63  }
0x124: {  	_ = 	snop  }
0x125: {  	[hbm4b:s24+s3] =	stream.linear.scatter [tilespmem:s3], [sflag:$0x1], $0x6400, $0x38;
	[tilespmem:$0x6400] =	vst v63  }
0x126: {  	s25 =	sadd.s32 s22, s7  }
0x127: {  	[hbm4b:s25+s3] =	stream.linear.scatter [tilespmem:s3], [sflag:$0x1], $0x6400, $0x38;
	[tilespmem:$0x6400] =	vst v63  }
0x128: {  	_ = 	snop  }
0x129: {  	[hbm4b:s25+s3] =	stream.linear.scatter [tilespmem:s3], [sflag:$0x1], $0x6400, $0x38;
	[tilespmem:$0x6400] =	vst v63  }
0x12a: {  	s26 =	sadd.s32 s22, s6  }
0x12b: {  	[hbm4b:s26+s3] =	stream.linear.scatter [tilespmem:s3], [sflag:$0x1], $0x6400, $0x38;
	[tilespmem:$0x6400] =	vst v63  }
0x12c: {  	_ = 	snop  }
0x12d: {  	[hbm4b:s26+s3] =	stream.linear.scatter [tilespmem:s3], [sflag:$0x1], $0x6400, $0x38;
	[tilespmem:$0x6400] =	vst v63  }
0x12e: {  	s28 =	sadd.s32 s22, s5  }
0x12f: {  	[hbm4b:s28+s3] =	stream.linear.scatter [tilespmem:s3], [sflag:$0x1], $0x6400, $0x38;
	[tilespmem:$0x6400] =	vst v63  }
0x130: {  	s24 =	rddreg [dreg:$0x4]  }
0x131: {  	[hbm4b:s28+s3] =	stream.linear.scatter [tilespmem:s3], [sflag:$0x1], $0x6400, $0x38;
	[tilespmem:$0x6400] =	vst v63  }
0x132: {  	s29 =	sadd.s32 s22, s24  }
0x133: {  	[hbm4b:s29+s3] =	stream.linear.scatter [tilespmem:s3], [sflag:$0x1], $0x6400, $0x38;
	[tilespmem:$0x6400] =	vst v63  }
0x134: {  	s30 =	rddreg [dreg:$0x3]  }
0x135: {  	[hbm4b:s29+s3] =	stream.linear.scatter [tilespmem:s3], [sflag:$0x1], $0x6400, $0x38;
	[tilespmem:$0x6400] =	vst v63  }
0x136: {  	s31 =	sadd.s32 s22, s30  }
0x137: {  	[hbm4b:s31+s3] =	stream.linear.scatter [tilespmem:s3], [sflag:$0x1], $0x6400, $0x38;
	[tilespmem:$0x6400] =	vst v63  }
0x138: {  	_ = 	snop  }
0x139: {  	[hbm4b:s31+s3] =	stream.linear.scatter [tilespmem:s3], [sflag:$0x1], $0x6400, $0x38;
	[tilespmem:$0x6400] =	vst v63  }
0x13a: {  	_ =	swait.ge [sflag:s20], $0x6400  }
0x13b: {  	[sflag:s20] =	ssyncset.done $0x0  }
0x13c: {  	[sflag:s20] =	ssyncadd.s32 $0xFFFF9C00  }
0x13d: {  	_ =	swait.ge [sflag:s20], $0x6400  }
0x13e: {  	[sflag:s20] =	ssyncset.done $0x0  }
0x13f: {  	[sflag:s20] =	ssyncadd.s32 $0xFFFF9C00  }
0x140: {  	_ =	swait.ge [sflag:s20], $0x6400  }
0x141: {  	[sflag:s20] =	ssyncset.done $0x0  }
0x142: {  	[sflag:s20] =	ssyncadd.s32 $0xFFFF9C00  }
0x143: {  	_ =	swait.ge [sflag:s20], $0x6400  }
0x144: {  	[sflag:s20] =	ssyncset.done $0x0  }
0x145: {  	[sflag:s20] =	ssyncadd.s32 $0xFFFF9C00  }
0x146: {  	_ =	swait.ge [sflag:s20], $0x6400  }
0x147: {  	[sflag:s20] =	ssyncset.done $0x0  }
0x148: {  	[sflag:s20] =	ssyncadd.s32 $0xFFFF9C00  }
0x149: {  	_ =	swait.ge [sflag:s20], $0x6400  }
0x14a: {  	[sflag:s20] =	ssyncset.done $0x0  }
0x14b: {  	[sflag:s20] =	ssyncadd.s32 $0xFFFF9C00  }
0x14c: {  	_ =	swait.ge [sflag:s20], $0x6400  }
0x14d: {  	[sflag:s20] =	ssyncset.done $0x0  }
0x14e: {  	[sflag:s20] =	ssyncadd.s32 $0xFFFF9C00  }
0x14f: {  	_ =	swait.ge [sflag:s20], $0x6400  }
0x150: {  	[sflag:s20] =	ssyncset.done $0x0  }
0x151: {  	[sflag:s20] =	ssyncadd.s32 $0xFFFF9C00  }
0x152: {  	_ =	swait.ge [sflag:s20], $0x6400  }
0x153: {  	[sflag:s20] =	ssyncset.done $0x0  }
0x154: {  	[sflag:s20] =	ssyncadd.s32 $0xFFFF9C00  }
0x155: {  	_ =	swait.ge [sflag:s20], $0x6400  }
0x156: {  	[sflag:s20] =	ssyncset.done $0x0  }
0x157: {  	[sflag:s20] =	ssyncadd.s32 $0xFFFF9C00  }
0x158: {  	_ =	swait.ge [sflag:s20], $0x6400  }
0x159: {  	[sflag:s20] =	ssyncset.done $0x0  }
0x15a: {  	[sflag:s20] =	ssyncadd.s32 $0xFFFF9C00  }
0x15b: {  	_ =	swait.ge [sflag:s20], $0x6400  }
0x15c: {  	[sflag:s20] =	ssyncset.done $0x0  }
0x15d: {  	[sflag:s20] =	ssyncadd.s32 $0xFFFF9C00  }
0x15e: {  	_ =	swait.ge [sflag:s20], $0x6400  }
0x15f: {  	[sflag:s20] =	ssyncset.done $0x0  }
0x160: {  	[sflag:s20] =	ssyncadd.s32 $0xFFFF9C00  }
0x161: {  	_ =	swait.ge [sflag:s20], $0x6400  }
0x162: {  	[sflag:s20] =	ssyncset.done $0x0  }
0x163: {  	s21 =	sadd.s32 $0x1, s21;
	[sflag:s20] =	ssyncadd.s32 $0xFFFF9C00  }
0x164: {  	p0 =	sne.s32 s21, s4;
	_ =	swait.ge [sflag:s20], $0x6400  }
.Ltmp1:
0x165: {  	[sflag:s20] =	ssyncset.done $0x0;
	(pc) =	sbr.rel @p0 .LBB2_1-.Ltmp1, $4  }
0x166: {  	[sflag:s20] =	ssyncadd.s32 $0xFFFF9C00  }
0x167: {  	_ =	swait.ge [sflag:s20], $0x6400  }
0x168: {  	[sflag:s20] =	ssyncset.done $0x0  }
0x169: {  	[sflag:s20] =	ssyncadd.s32 $0xFFFF9C00  }
0x16a: {  	_ =	sfence.sel $0x180000  }
0x16b: {  	[bflag:$0x0] =	sbarrier.arrive $0xFFFF  }
0x16c: {  	p0 =	sne.s32 s0, $0x0;
	_ =	strace $0x90000047  }
0x16d: {  	s0 =	sadd.s32 @!p0 $0x100000, s1;
	[bflag:$0x2] =	sbarrier.arrive $0xFFFF  }
0x16e: {  	[sflag:s0] =	ssyncadd.tile.s32 @!p0 $0x1;
	_ =	shalt  }
.Lfunc_end2:
_tile_overlayer_lowered:
.L_overlay_start_2:
0x16f: {  	(tag) =	ssettag $0x2  }
0x170: {  	s0 =	rddreg [dreg:$0x0];
	s2 =	stileid.u32  }
0x171: {  	s1 =	rddreg [dreg:$0x1];
	p0 =	sne.s32 s2, $0x0  }
0x172: {  	s3 =	rddreg [dreg:$0x2];
	[bflag:$0x3] =	sbarrier.arrive $0xFFFF;
	s2 =	simm.s32 @!p0 $0x1C02  }
0x173: {  	[timem:s3], [sflag:s2] =	dma.local @!p0 [hbm:s0], s1  }
0x174: {  	s0 =	simm.s32 @!p0 $0x2  }
0x175: {  	_ =	swait.ge @!p0 [sflag:s0], s1  }
0x176: {  	s1 =	ssub.s32 @!p0 $0x0, s1;
	[sflag:s0] =	ssyncset.done @!p0 $0x0  }
0x177: {  	[sflag:s0] =	ssyncadd.s32 @!p0 s1  }
0x178: {  	[bflag:$0x3] =	sbarrier.arrive $0xFFFF  }
0x179: {  	_ =	shalt  }

</sc_bundles>
